<compile_context>
chip_gen: v7x
topology: tpu7x:2x2x1
jax: 0.10.2.dev20260603
libtpu: 0.0.44.dev20260713+nightly
codegen_flags: <defaults>
</compile_context>

<pallas_src>
import functools

import jax
import jax.numpy as jnp
from jax import lax
from jax.experimental import pallas as pl
from jax.experimental.pallas import tpu as pltpu
from jax.experimental.pallas import tpu_sc as plsc

_TEMP = 1.3
_BETA = 1.5
_K_OUT = 100
_K = 128
_NV = 81


def _dot(a, b):
    return lax.dot_general(a, b, (((1,), (0,)), ((), ())),
                           precision=lax.Precision.HIGHEST,
                           preferred_element_type=jnp.float32)



def _row_max_kernel(logits_ref, obj_ref, unk_ref, m_ref):
    x = logits_ref[...]
    cmask = lax.broadcasted_iota(jnp.int32, x.shape, 3) < _NV
    lmax = jnp.max(jnp.where(cmask, x, -1e30), axis=-1)
    obj = jnp.exp(-_TEMP * obj_ref[...])
    u = jax.nn.sigmoid(unk_ref[...])
    s = jax.nn.sigmoid(lmax)
    maxk = jnp.where(s > 0.2, s, 0.0)
    w = 1.0 - _BETA * u
    kpk = jnp.where((u > maxk) | (w < 0.0), 0.0, (obj * maxk) * w)
    punk = (obj * u) * (1.0 - maxk)
    m_ref[...] = jnp.maximum(punk, kpk)


def _row_max(pred_logits, pred_obj, pred_unk):
    B, N, C = pred_logits.shape
    G, SR = 50, 25
    m = pl.pallas_call(
        _row_max_kernel,
        grid=(G,),
        in_specs=[
            pl.BlockSpec((1, SR, 128, C), lambda i: (i, 0, 0, 0)),
            pl.BlockSpec((1, SR, 128), lambda i: (i, 0, 0)),
            pl.BlockSpec((1, SR, 128), lambda i: (i, 0, 0)),
        ],
        out_specs=pl.BlockSpec((1, SR, 128), lambda i: (i, 0, 0)),
        out_shape=jax.ShapeDtypeStruct((G, SR, 128), jnp.float32),
    )(
        pred_logits.reshape(G, SR, 128, C),
        pred_obj.reshape(G, SR, 128),
        pred_unk.reshape(G, SR, 128),
    )
    return m.reshape(B, N)



def _thr_kernel(m_ref, thr_ref):
    bits = lax.bitcast_convert_type(m_ref[...], jnp.int32)
    B = bits.shape[0]

    def body(_, lohi):
        lo, hi = lohi
        mid = lo + ((hi - lo + 1) >> 1)
        cnt = jnp.sum((bits >= mid).astype(jnp.int32), axis=1, keepdims=True)
        ge = cnt >= _K
        return jnp.where(ge, mid, lo), jnp.where(ge, hi, mid - 1)

    lo0 = jnp.zeros((B, 1), jnp.int32)
    hi0 = jnp.full((B, 1), 0x7F800000, jnp.int32)
    lo, _ = lax.fori_loop(0, 31, body, (lo0, hi0))
    thr_ref[...] = jnp.broadcast_to(lo[:, :, None], thr_ref.shape)


def _thresholds(M):
    B, N = M.shape
    return pl.pallas_call(
        _thr_kernel,
        grid=(1,),
        in_specs=[pl.BlockSpec((B, N), lambda i: (0, 0))],
        out_specs=pl.BlockSpec((B, 8, 128), lambda i: (0, 0, 0)),
        out_shape=jax.ShapeDtypeStruct((B, 8, 128), jnp.int32),
    )(M)



_NW = 32
_RPW = 20000 // 4


def _sc_body(m_hbm, thr_hbm, lgA_hbm, smA_hbm,
             lgg_hbm, smg_hbm, cnt_hbm, cands_hbm, counts_hbm,
             mv, thrv, candv, csv, cntv, candf, countv,
             idx2a, idx2b, idxs, raw_lg, raw_sm, out_lg, out_sm, sem):
    i32 = jnp.int32
    c = lax.axis_index("c")
    s = lax.axis_index("s")
    w = c * 16 + s
    b = w // 4
    q = w % 4
    pltpu.sync_copy(m_hbm.at[pl.ds(w * _RPW, _RPW)], mv.at[pl.ds(0, _RPW)])
    pltpu.sync_copy(thr_hbm.at[pl.ds(b * 16, 16)], thrv)
    tvec = thrv[...]
    lane = lax.iota(i32, 16)

    def body(i, off):
        v = mv[pl.ds(i * 16, 16)]
        bits = plsc.bitcast(v, i32)
        j = i * 16 + lane
        mask = (bits >= tvec) & (j < _RPW)
        mi = jnp.where(mask, 1, 0).astype(i32)
        ranks = plsc.cumsum(mi)
        dest = jnp.clip(off + ranks - 1, 0, _K - 1)
        plsc.store_scatter(candv, [dest], q * _RPW + j, mask=mask)
        return off + jnp.sum(mi)

    cnt = lax.fori_loop(0, (_RPW + 15) // 16, body, jnp.int32(0))
    countv[...] = jnp.broadcast_to(cnt, (16,)).astype(i32)
    pltpu.sync_copy(candv, cands_hbm.at[pl.ds(w * _K, _K)])
    pltpu.sync_copy(countv, counts_hbm.at[pl.ds(w * 16, 16)])
    plsc.subcore_barrier()

    @pl.when(q == 0)
    def _gather():
        pltpu.sync_copy(cands_hbm.at[pl.ds(w * _K, 4 * _K)], csv)
        pltpu.sync_copy(counts_hbm.at[pl.ds(w * 16, 64)], cntv)
        cnts = [cntv[pl.ds(p * 16, 16)] for p in range(4)]
        off1 = cnts[0]
        off2 = off1 + cnts[1]
        off3 = off2 + cnts[2]
        total = off3 + cnts[3]
        for j in range(8):
            sl = j * 16 + lane
            p = (jnp.where(sl >= off1, 1, 0) + jnp.where(sl >= off2, 1, 0)
                 + jnp.where(sl >= off3, 1, 0)).astype(i32)
            offp = (jnp.where(p >= 1, cnts[0], 0)
                    + jnp.where(p >= 2, cnts[1], 0)
                    + jnp.where(p >= 3, cnts[2], 0)).astype(i32)
            col = jnp.clip(sl - offp, 0, _K - 1) + p * _K
            vmask = sl < total
            n = plsc.load_gather(csv, [col], mask=vmask)
            n = jnp.where(vmask, n, 0)
            candf[pl.ds(j * 16, 16)] = n + b * 20000
        for j in range(8):
            sl = j * 16 + lane
            nk = plsc.load_gather(candf, [sl])
            base = (nk * 91) >> 7
            idx2a[pl.ds(j * 16, 16)] = base
            idx2b[pl.ds(j * 16, 16)] = jnp.minimum(base + 1, 113749)
        for j in range(8):
            sl = j * 16 + lane
            nk = plsc.load_gather(candf, [sl])
            idxs[pl.ds(j * 16, 16)] = nk >> 4
        pltpu.async_copy(lgA_hbm.at[idx2a], raw_lg.at[pl.ds(0, _K)], sem).wait()
        pltpu.async_copy(lgA_hbm.at[idx2b], raw_lg.at[pl.ds(_K, _K)], sem).wait()
        pltpu.async_copy(smA_hbm.at[idxs], raw_sm, sem).wait()

        def ext_lg(v, _):
            t = v * 16 + lane
            k = t // 96
            cc = t % 96
            nk = plsc.load_gather(candf, [k])
            pos = (nk * 91 & 127) + cc
            val = plsc.load_gather(raw_lg, [k + _K * (pos >> 7), pos & 127])
            out_lg[pl.ds(v * 16, 16)] = val
            return 0

        lax.fori_loop(0, _K * 96 // 16, ext_lg, 0)

        def ext_sm(v, _):
            t = v * 16 + lane
            k = t >> 3
            col = t & 7
            nk = plsc.load_gather(candf, [k])
            val = plsc.load_gather(raw_sm, [k, (nk & 15) * 8 + col])
            out_sm[pl.ds(v * 16, 16)] = val
            return 0

        lax.fori_loop(0, _K * 8 // 16, ext_sm, 0)
        pltpu.sync_copy(out_lg, lgg_hbm.at[pl.ds(b * _K * 96, _K * 96)])
        pltpu.sync_copy(out_sm, smg_hbm.at[pl.ds(b * _K * 8, _K * 8)])
        countv[...] = jnp.minimum(total, _K)
        pltpu.sync_copy(countv, cnt_hbm.at[pl.ds(b * 16, 16)])


def _sc_compact_gather(m1d, thrv, logits2, small2):
    mesh = plsc.VectorSubcoreMesh(core_axis_name="c", subcore_axis_name="s",
                                  num_cores=2, num_subcores=16)
    f32, i32 = jnp.float32, jnp.int32
    k = functools.partial(
        pl.kernel,
        compiler_params=pltpu.CompilerParams(needs_layout_passes=False),
        out_type=[
            jax.ShapeDtypeStruct((8 * _K * 96,), f32),
            jax.ShapeDtypeStruct((8 * _K * 8,), f32),
            jax.ShapeDtypeStruct((8 * 16,), i32),
            jax.ShapeDtypeStruct((_NW * _K,), i32),
            jax.ShapeDtypeStruct((_NW * 16,), i32),
        ],
        mesh=mesh,
        scratch_types=[
            pltpu.VMEM((_RPW + 16,), f32),
            pltpu.VMEM((16,), i32),
            pltpu.VMEM((_K,), i32),
            pltpu.VMEM((4 * _K,), i32),
            pltpu.VMEM((64,), i32),
            pltpu.VMEM((_K,), i32),
            pltpu.VMEM((16,), i32),
            pltpu.VMEM((_K,), i32),
            pltpu.VMEM((_K,), i32),
            pltpu.VMEM((_K,), i32),
            pltpu.VMEM((2 * _K, 128), f32),
            pltpu.VMEM((_K, 128), f32),
            pltpu.VMEM((_K * 96,), f32),
            pltpu.VMEM((_K * 8,), f32),
            pltpu.SemaphoreType.DMA,
        ],
    )(_sc_body)
    lgg, smg, cnts, _, _ = k(m1d, thrv, logits2, small2)
    return lgg.reshape(8, _K, 96), smg.reshape(8, _K, 8), cnts



def _select_kernel(lg_ref, sm_ref, cnt_ref, tsz_ref,
                   sc_ref, lb_ref, bx_ref):
    C = lg_ref.shape[2]
    K = _K
    f32, i32 = jnp.float32, jnp.int32

    LG = lg_ref[0]
    SM = sm_ref[0]
    cnt1 = jnp.max(cnt_ref[0])
    ir = lax.broadcasted_iota(i32, (K, K), 0)
    ic = lax.broadcasted_iota(i32, (K, K), 1)
    eye = (ic == ir).astype(f32)
    valid = lax.broadcasted_iota(i32, (K, 1), 0) < cnt1

    obj = jnp.exp(-_TEMP * SM[:, 0:1])
    u = jax.nn.sigmoid(SM[:, 1:2])
    kp = jax.nn.sigmoid(LG)
    kp = kp * (kp > 0.2).astype(f32)
    cl = lax.broadcasted_iota(i32, (K, C), 1)
    kp = jnp.where(cl >= _NV, 0.0, kp)
    maxk = jnp.max(jnp.where(cl < 90, kp, 0.0), axis=1, keepdims=True)
    w = 1.0 - _BETA * u
    pk = jnp.where(u > maxk, 0.0, (obj * kp) * w)
    pu = (obj * u) * (1.0 - maxk)
    ent = jnp.where(cl == 90, pu, pk)
    ent = jnp.where(valid, ent, -1.0)

    ebits = lax.bitcast_convert_type(ent, i32)

    def body(_, lohi):
        lo, hi = lohi
        mid = lo + ((hi - lo + 1) >> 1)
        cnt = jnp.sum((ebits >= mid).astype(i32))
        ge = cnt >= _K_OUT
        return jnp.where(ge, mid, lo), jnp.where(ge, hi, mid - 1)

    lo2, _ = lax.fori_loop(
        0, 31, body, (jnp.int32(0), jnp.int32(0x7F800000)))

    q2 = (ebits >= lo2).astype(f32)
    rowsum = jnp.sum(q2, axis=1, keepdims=True)
    Lt = (ic < ir).astype(f32)
    ones_row = jnp.ones((1, K), f32)
    rowoff = _dot(Lt, rowsum)
    rowoffT = _dot(ones_row, eye * rowoff)
    rowendT = _dot(ones_row, eye * (rowoff + rowsum))
    sidx = lax.broadcasted_iota(i32, (K, K), 0).astype(f32)
    R2 = ((rowoffT <= sidx) & (sidx < rowendT)).astype(f32)
    RV = _dot(R2, ent)
    QR = _dot(R2, q2)
    SMg = _dot(R2, SM)
    s_local = lax.broadcasted_iota(i32, (K, 1), 0).astype(f32) - _dot(R2, rowoff)
    cumrow = QR
    sh = 1
    while sh < C:
        cumrow = cumrow + jnp.concatenate(
            [jnp.zeros((K, sh), f32), cumrow[:, : C - sh]], axis=1)
        sh *= 2
    C1 = ((cumrow == s_local + 1.0) & (QR > 0.5)).astype(f32)
    val = jnp.sum(C1 * RV, axis=1, keepdims=True)
    clf = lax.broadcasted_iota(i32, (K, C), 1).astype(f32)
    lab = jnp.sum(C1 * clf, axis=1, keepdims=True)

    valT = _dot(ones_row, eye * val)
    beats = (valT > val) | ((valT == val) & (ic < ir))
    rank = jnp.sum(beats.astype(f32), axis=1, keepdims=True)
    rankT = _dot(ones_row, eye * rank)
    F = (rankT == sidx).astype(f32)
    sc = _dot(F, val)
    lb = _dot(F, lab)
    bxg = _dot(F, SMg[:, 2:6])

    cx, cy, bw, bh = bxg[:, 0:1], bxg[:, 1:2], bxg[:, 2:3], bxg[:, 3:4]
    h_img = tsz_ref[0, :, 0:1]
    w_img = tsz_ref[0, :, 1:2]
    x0 = (cx - 0.5 * bw) * w_img
    y0 = (cy - 0.5 * bh) * h_img
    x1 = (cx + 0.5 * bw) * w_img
    y1 = (cy + 0.5 * bh) * h_img
    sc_ref[...] = sc[None]
    lb_ref[...] = lb.astype(i32)[None]
    bx_ref[...] = jnp.concatenate([x0, y0, x1, y1], axis=1)[None]


def _select(lgg, smg, cnts, tszf):
    B, C = lgg.shape[0], lgg.shape[2]
    return pl.pallas_call(
        _select_kernel,
        grid=(B,),
        in_specs=[
            pl.BlockSpec((1, _K, 96), lambda b: (b, 0, 0)),
            pl.BlockSpec((1, _K, 8), lambda b: (b, 0, 0)),
            pl.BlockSpec((1, 1, 16), lambda b: (b, 0, 0)),
            pl.BlockSpec((1, 1, 2), lambda b: (b, 0, 0)),
        ],
        out_specs=[
            pl.BlockSpec((1, _K, 1), lambda b: (b, 0, 0)),
            pl.BlockSpec((1, _K, 1), lambda b: (b, 0, 0)),
            pl.BlockSpec((1, _K, 4), lambda b: (b, 0, 0)),
        ],
        out_shape=[
            jax.ShapeDtypeStruct((B, _K, 1), jnp.float32),
            jax.ShapeDtypeStruct((B, _K, 1), jnp.int32),
            jax.ShapeDtypeStruct((B, _K, 4), jnp.float32),
        ],
    )(lgg, smg, cnts.reshape(B, 1, 16), tszf)


def kernel(pred_logits, pred_obj, pred_boxes, pred_unk, target_sizes):
    B, N, C = pred_logits.shape
    M = _row_max(pred_logits, pred_obj, pred_unk)
    thr = _thresholds(M)
    small = jnp.concatenate(
        [pred_obj[..., None], pred_unk[..., None], pred_boxes,
         jnp.zeros((B, N, 2), jnp.float32)], axis=-1)
    lgg, smg, cnts = _sc_compact_gather(
        M.reshape(B * N), thr[:, 0, :16].reshape(B * 16),
        pred_logits.reshape(B * N * C // 128, 128),
        small.reshape(B * N * 8 // 128, 128))
    tszf = target_sizes.astype(jnp.float32).reshape(B, 1, 2)
    sc, lb, bx = _select(lgg, smg, cnts, tszf)
    return (sc[:, :_K_OUT, 0], lb[:, :_K_OUT, 0], bx[:, :_K_OUT, :])

# --- scband reference (transcript-rebuilt; emitter-appended) ---
"""Pipeline reference for scband-post-process-83451214561403 (READ-ONLY COPY).

The authoritative reference and input builder live on the scoring server;
editing this copy changes nothing except your own understanding.
"""

import jax, jax.numpy as jnp
import numpy as np

TEMPERATURE = 1.3
PRED_PER_IM = 100
BETA = 1.5
INVALID = np.array([81, 82, 83, 84, 85, 86, 87, 88, 89])


def setup_inputs(seed: int = 0) -> dict:
    key = jax.random.key(seed)
    k1, k2, k3, k4, k5 = jax.random.split(key, 5)
    B, N, C = 8, 20000, 91
    return {
        "pred_logits": jax.random.normal(k1, (B, N, C), dtype=jnp.float32),
        "pred_obj": jax.random.normal(k2, (B, N), dtype=jnp.float32),
        "pred_boxes": jax.random.uniform(k3, (B, N, 4), dtype=jnp.float32),
        "pred_unk": jax.random.normal(k4, (B, N), dtype=jnp.float32),
        "target_sizes": jax.random.randint(k5, (B, 2), 0, 1333, dtype=jnp.int32),
    }


def box_cxcywh_to_xyxy(b):
    cx, cy, w, h = b[..., 0], b[..., 1], b[..., 2], b[..., 3]
    return jnp.stack([cx - 0.5 * w, cy - 0.5 * h, cx + 0.5 * w, cy + 0.5 * h], axis=-1)


def reference(pred_logits, pred_obj, pred_boxes, pred_unk, target_sizes):
    B, N, C = pred_logits.shape
    logits = pred_logits.at[:, :, INVALID].set(-1e11)
    obj_prob = jnp.exp(-TEMPERATURE * pred_obj)[..., None]
    prob = obj_prob * jax.nn.sigmoid(logits)
    prob = prob.at[:, :, INVALID].set(0.0)
    # open-world branch (pred_unk is not None)
    unk_prob = jax.nn.sigmoid(pred_unk)
    known_prob = jax.nn.sigmoid(logits)
    valid_known_mask = known_prob > 0.2
    known_prob = known_prob * valid_known_mask.astype(jnp.float32)
    known_prob = known_prob.at[:, :, INVALID].set(0.0)
    known_prob = known_prob.at[:, :, -1].set(0.0)
    max_known_prob = jnp.max(known_prob[:, :, :-1], axis=-1)
    prob_known = obj_prob * known_prob[:, :, :-1] * (1.0 - BETA * unk_prob[..., None])
    prob_unk = obj_prob[..., 0] * unk_prob * (1.0 - max_known_prob)
    is_unknown = unk_prob > max_known_prob
    prob_known = jnp.where(is_unknown[..., None], 0.0, prob_known)
    prob = jnp.concatenate([prob_known, prob_unk[..., None]], axis=-1)
    topk_values, topk_indexes = jax.lax.top_k(prob.reshape(B, N * C), PRED_PER_IM)
    scores = topk_values
    topk_boxes = topk_indexes // C
    labels = topk_indexes % C
    boxes = box_cxcywh_to_xyxy(pred_boxes)
    boxes = jnp.take_along_axis(boxes, topk_boxes[:, :, None], axis=1)
    img_h = target_sizes[:, 0].astype(jnp.float32)
    img_w = target_sizes[:, 1].astype(jnp.float32)
    scale_fct = jnp.stack([img_w, img_h, img_w, img_h], axis=1)
    boxes = boxes * scale_fct[:, None, :]
    return scores, labels, boxes

if __name__ == "__main__":
    import jax
    _d = setup_inputs()
    print(jax.jit(kernel)(*tuple(_d.values())))

</pallas_src>

<mosaic_0001>
#map = affine_map<(d0, d1) -> (0)>
#map1 = affine_map<(d0, d1) -> (0, 0)>
module attributes {stable_mosaic.version = 14 : i64} {
  func.func @_sc_body(%arg0: i32, %arg1: i32, %arg2: memref<160000xf32, #tpu.memory_space<hbm>>, %arg3: memref<128xi32, #tpu.memory_space<hbm>>, %arg4: memref<113750x128xf32, #tpu.memory_space<hbm>>, %arg5: memref<10000x128xf32, #tpu.memory_space<hbm>>, %arg6: memref<98304xf32, #tpu.memory_space<hbm>>, %arg7: memref<8192xf32, #tpu.memory_space<hbm>>, %arg8: memref<128xi32, #tpu.memory_space<hbm>>, %arg9: memref<4096xi32, #tpu.memory_space<hbm>>, %arg10: memref<512xi32, #tpu.memory_space<hbm>>, %arg11: memref<5016xf32, #tpu.memory_space<vmem>>, %arg12: memref<16xi32, #tpu.memory_space<vmem>>, %arg13: memref<128xi32, #tpu.memory_space<vmem>>, %arg14: memref<512xi32, #tpu.memory_space<vmem>>, %arg15: memref<64xi32, #tpu.memory_space<vmem>>, %arg16: memref<128xi32, #tpu.memory_space<vmem>>, %arg17: memref<16xi32, #tpu.memory_space<vmem>>, %arg18: memref<128xi32, #tpu.memory_space<vmem>>, %arg19: memref<128xi32, #tpu.memory_space<vmem>>, %arg20: memref<128xi32, #tpu.memory_space<vmem>>, %arg21: memref<256x128xf32, #tpu.memory_space<vmem>>, %arg22: memref<128x128xf32, #tpu.memory_space<vmem>>, %arg23: memref<12288xf32, #tpu.memory_space<vmem>>, %arg24: memref<1024xf32, #tpu.memory_space<vmem>>, %arg25: memref<!tpu.dma_semaphore, #tpu.memory_space<semaphore_mem>>) attributes {dimension_semantics = [#tpu.dimension_semantics<core_parallel>, #tpu.dimension_semantics<subcore_parallel>], iteration_bounds = array<i64: 2, 16>, scalar_prefetch = 0 : i64, scratch_operands = 15 : i64, tpu.core_type = #tpu.core_type<sc_vector_subcore>, window_params = [{transform_indices = #map}, {transform_indices = #map}, {transform_indices = #map1}, {transform_indices = #map1}, {transform_indices = #map}, {transform_indices = #map}, {transform_indices = #map}, {transform_indices = #map}, {transform_indices = #map}]} {
    %mul3A = arith.constant 16 : i32
    %mul3A_0 = arith.muli %arg0, %mul3A : i32
    %add3A = arith.addi %mul3A_0, %arg1 : i32
    %jit3A = arith.constant 4 : i32
    %div3A = arith.divsi %add3A, %jit3A : i32
    %sign3A = arith.constant 0 : i32
    %sign3A_1 = arith.cmpi sgt, %add3A, %sign3A : i32
    %sign3A_2 = arith.extui %sign3A_1 : i1 to i32
    %sign3A_3 = arith.constant 0 : i32
    %sign3A_4 = arith.cmpi slt, %add3A, %sign3A_3 : i32
    %sign3A_5 = arith.extui %sign3A_4 : i1 to i32
    %sign3A_6 = arith.subi %sign3A_2, %sign3A_5 : i32
    %sign3A_7 = arith.constant 0 : i32
    %sign3A_8 = arith.cmpi sgt, %jit3A, %sign3A_7 : i32
    %sign3A_9 = arith.extui %sign3A_8 : i1 to i32
    %sign3A_10 = arith.constant 0 : i32
    %sign3A_11 = arith.cmpi slt, %jit3A, %sign3A_10 : i32
    %sign3A_12 = arith.extui %sign3A_11 : i1 to i32
    %sign3A_13 = arith.subi %sign3A_9, %sign3A_12 : i32
    %ne3A = arith.cmpi ne, %sign3A_6, %sign3A_13 : i32
    %rem3A = arith.remsi %add3A, %jit3A : i32
    %ne3A_14 = arith.constant 0 : i32
    %ne3A_15 = arith.cmpi ne, %rem3A, %ne3A_14 : i32
    %and3A = arith.andi %ne3A, %ne3A_15 : i1
    %sub3A = arith.constant 1 : i32
    %sub3A_16 = arith.subi %div3A, %sub3A : i32
    %select_n3A = arith.select %and3A, %sub3A_16, %div3A : i32
    %jit3A_17 = arith.constant 4 : i32
    %eq3A = arith.constant 0 : i32
    %eq3A_18 = arith.cmpi eq, %jit3A_17, %eq3A : i32
    %jit3A_19 = arith.constant 1 : i32
    %select_n3A_20 = arith.select %eq3A_18, %jit3A_19, %jit3A_17 : i32
    %rem3A_21 = arith.remsi %add3A, %select_n3A_20 : i32
    %ne3A_22 = arith.constant 0 : i32
    %ne3A_23 = arith.cmpi ne, %rem3A_21, %ne3A_22 : i32
    %lt3A = arith.constant 0 : i32
    %lt3A_24 = arith.cmpi slt, %rem3A_21, %lt3A : i32
    %lt3A_25 = arith.constant 0 : i32
    %lt3A_26 = arith.cmpi slt, %select_n3A_20, %lt3A_25 : i32
    %ne3A_27 = arith.xori %lt3A_24, %lt3A_26 : i1
    %and3A_28 = arith.andi %ne3A_27, %ne3A_23 : i1
    %add3A_29 = arith.addi %rem3A_21, %select_n3A_20 : i32
    %select_n3A_30 = arith.select %and3A_28, %add3A_29, %rem3A_21 : i32
    %mul3A_31 = arith.constant 5000 : i32
    %mul3A_32 = arith.muli %add3A, %mul3A_31 : i32
    "tpu.region"() ({
      %run_scoped3A = tpu.sem_alloc : memref<!tpu.dma_semaphore, #tpu.memory_space<semaphore_mem>>
      %dma_start3A = arith.constant 0 : i32
      %dma_start3A_50 = tpu.memref_slice %arg11[%dma_start3A] : memref<5016xf32, #tpu.memory_space<vmem>> -> memref<5000xf32, #tpu.memory_space<vmem>>
      %dma_start3A_51 = tpu.memref_slice %arg2[%mul3A_32] : memref<160000xf32, #tpu.memory_space<hbm>> -> memref<5000xf32, #tpu.memory_space<hbm>>
      %dma_start3A_52 = arith.constant 0 : i32
      %dma_start3A_53 = tpu.memref_slice %arg11[%dma_start3A_52] : memref<5016xf32, #tpu.memory_space<vmem>> -> memref<5000xf32, #tpu.memory_space<vmem>>
      %dma_start3A_54 = tpu.memref_slice %arg2[%mul3A_32] : memref<160000xf32, #tpu.memory_space<hbm>> -> memref<5000xf32, #tpu.memory_space<hbm>>
      tpu.enqueue_dma source(%dma_start3A_54 : memref<5000xf32, #tpu.memory_space<hbm>>) target(%dma_start3A_53 : memref<5000xf32, #tpu.memory_space<vmem>>) target_semaphore(%run_scoped3A : memref<!tpu.dma_semaphore, #tpu.memory_space<semaphore_mem>>)
      %dma_wait3A = arith.constant 0 : i32
      %dma_wait3A_55 = tpu.memref_slice %arg11[%dma_wait3A] : memref<5016xf32, #tpu.memory_space<vmem>> -> memref<5000xf32, #tpu.memory_space<vmem>>
      %dma_wait3A_56 = tpu.memref_slice %arg2[%mul3A_32] : memref<160000xf32, #tpu.memory_space<hbm>> -> memref<5000xf32, #tpu.memory_space<hbm>>
      %dma_wait3A_57 = arith.constant 0 : i32
      %dma_wait3A_58 = tpu.memref_slice %arg11[%dma_wait3A_57] : memref<5016xf32, #tpu.memory_space<vmem>> -> memref<5000xf32, #tpu.memory_space<vmem>>
      %dma_wait3A_59 = tpu.memref_slice %arg2[%mul3A_32] : memref<160000xf32, #tpu.memory_space<hbm>> -> memref<5000xf32, #tpu.memory_space<hbm>>
      tpu.wait_dma2 semaphore(%run_scoped3A : memref<!tpu.dma_semaphore, #tpu.memory_space<semaphore_mem>>) src(%dma_wait3A_59 : memref<5000xf32, #tpu.memory_space<hbm>>) dst(%dma_wait3A_58 : memref<5000xf32, #tpu.memory_space<vmem>>)
      tpu.yield
    }) : () -> ()
    %mul3A_33 = arith.constant 16 : i32
    %mul3A_34 = arith.muli %select_n3A, %mul3A_33 : i32
    "tpu.region"() ({
      %run_scoped3A = tpu.sem_alloc : memref<!tpu.dma_semaphore, #tpu.memory_space<semaphore_mem>>
      %dma_start3A = tpu.memref_slice %arg3[%mul3A_34] : memref<128xi32, #tpu.memory_space<hbm>> -> memref<16xi32, #tpu.memory_space<hbm>>
      %dma_start3A_50 = tpu.memref_slice %arg3[%mul3A_34] : memref<128xi32, #tpu.memory_space<hbm>> -> memref<16xi32, #tpu.memory_space<hbm>>
      tpu.enqueue_dma source(%dma_start3A_50 : memref<16xi32, #tpu.memory_space<hbm>>) target(%arg12 : memref<16xi32, #tpu.memory_space<vmem>>) target_semaphore(%run_scoped3A : memref<!tpu.dma_semaphore, #tpu.memory_space<semaphore_mem>>)
      %dma_wait3A = tpu.memref_slice %arg3[%mul3A_34] : memref<128xi32, #tpu.memory_space<hbm>> -> memref<16xi32, #tpu.memory_space<hbm>>
      %dma_wait3A_51 = tpu.memref_slice %arg3[%mul3A_34] : memref<128xi32, #tpu.memory_space<hbm>> -> memref<16xi32, #tpu.memory_space<hbm>>
      tpu.wait_dma2 semaphore(%run_scoped3A : memref<!tpu.dma_semaphore, #tpu.memory_space<semaphore_mem>>) src(%dma_wait3A_51 : memref<16xi32, #tpu.memory_space<hbm>>) dst(%arg12 : memref<16xi32, #tpu.memory_space<vmem>>)
      tpu.yield
    }) : () -> ()
    %get3A = arith.constant 0 : index
    %get3A_35 = tpu.vector_load %arg12[%get3A] {strides = array<i32>} : memref<16xi32, #tpu.memory_space<vmem>>, vector<16xi32>,
    %iota3A = tpu.iota {dimensions = array<i32: 0>} : vector<16xi32>
    %scan3A = arith.constant 0 : i32
    %scan3A_36 = arith.constant 0 : i32
    %scan3A_37 = arith.constant 313 : i32
    %scan3A_38 = arith.addi %scan3A_36, %scan3A_37 : i32
    %scan3A_39 = arith.constant 1 : i32
    %scan3A_40 = scf.for %scan3A_50 = %scan3A_36 to %scan3A_38 step %scan3A_39 iter_args(%scan3A_51 = %scan3A) -> (i32)  : i32 {
      %mul3A_52 = arith.constant 16 : i32
      %mul3A_53 = arith.muli %scan3A_50, %mul3A_52 : i32
      %get3A_54 = arith.index_cast %mul3A_53 : i32 to index
      %get3A_55 = tpu.vector_load %arg11[%get3A_54] {strides = array<i32>} : memref<5016xf32, #tpu.memory_space<vmem>>, vector<16xf32>,
      %bitcast3A = vector.bitcast %get3A_55 : vector<16xf32> to vector<16xi32>
      %mul3A_56 = arith.constant 16 : i32
      %mul3A_57 = arith.muli %scan3A_50, %mul3A_56 : i32
      %add3A_58 = vector.broadcast %mul3A_57 : i32 to vector<16xi32>
      %add3A_59 = arith.addi %add3A_58, %iota3A : vector<16xi32>
      %ge3A = arith.cmpi sge, %bitcast3A, %get3A_35 : vector<16xi32>
      %lt3A_60 = arith.constant 5000 : i32
      %lt3A_61 = vector.broadcast %lt3A_60 : i32 to vector<16xi32>
      %lt3A_62 = arith.cmpi slt, %add3A_59, %lt3A_61 : vector<16xi32>
      %and3A_63 = arith.andi %ge3A, %lt3A_62 : vector<16xi1>
      %jit3A_64 = arith.constant 1 : i32
      %jit3A_65 = arith.constant 0 : i32
      %broadcast_in_dim3A_66 = vector.broadcast %jit3A_64 : i32 to vector<16xi32>
      %broadcast_in_dim3A_67 = vector.broadcast %jit3A_65 : i32 to vector<16xi32>
      %select_n3A_68 = arith.select %and3A_63, %broadcast_in_dim3A_66, %broadcast_in_dim3A_67 : vector<16xi1>, vector<16xi32>
      %broadcast_in_dim3A_69 = arith.constant true
      %broadcast_in_dim3A_70 = vector.broadcast %broadcast_in_dim3A_69 : i1 to vector<16xi1>
      %masked_cumsum3A = tpu.scan <sum>, %select_n3A_68 masked %broadcast_in_dim3A_70 : vector<16xi32>, vector<16xi1> -> vector<16xi32>
      %add3A_71 = vector.broadcast %scan3A_51 : i32 to vector<16xi32>
      %add3A_72 = arith.addi %add3A_71, %masked_cumsum3A : vector<16xi32>
      %sub3A_73 = arith.constant 1 : i32
      %sub3A_74 = vector.broadcast %sub3A_73 : i32 to vector<16xi32>
      %sub3A_75 = arith.subi %add3A_72, %sub3A_74 : vector<16xi32>
      %jit3A_76 = arith.constant 0 : i32
      %jit3A_77 = arith.constant 127 : i32
      %max3A = vector.broadcast %jit3A_76 : i32 to vector<16xi32>
      %max3A_78 = arith.maxsi %max3A, %sub3A_75 : vector<16xi32>
      %min3A = vector.broadcast %jit3A_77 : i32 to vector<16xi32>
      %min3A_79 = arith.minsi %min3A, %max3A_78 : vector<16xi32>
      %mul3A_80 = arith.constant 5000 : i32
      %mul3A_81 = arith.muli %select_n3A_30, %mul3A_80 : i32
      %add3A_82 = vector.broadcast %mul3A_81 : i32 to vector<16xi32>
      %add3A_83 = arith.addi %add3A_82, %add3A_59 : vector<16xi32>
      tpu.vector_store_idx %arg13[%min3A_79], %add3A_83 masked %and3A_63 : memref<128xi32, #tpu.memory_space<vmem>>[vector<16xi32>], vector<16xi32>, vector<16xi1>
      %reduce_sum3A = arith.constant true
      %reduce_sum3A_84 = vector.broadcast %reduce_sum3A : i1 to vector<16xi1>
      %reduce_sum3A_85 = tpu.scan <sum>, %select_n3A_68 masked %reduce_sum3A_84 : vector<16xi32>, vector<16xi1> -> vector<16xi32>
      %reduce_sum3A_86 = vector.extract %reduce_sum3A_85[15] : i32 from vector<16xi32>
      %add3A_87 = arith.addi %scan3A_51, %reduce_sum3A_86 : i32
      scf.yield %add3A_87 : i32
    }
    %scan3A_41 = arith.constant 313 : i32
    %broadcast_in_dim3A = vector.broadcast %scan3A_40 : i32 to vector<16xi32>
    %swap3A = arith.constant 0 : index
    %swap3A_42 = tpu.vector_load %arg17[%swap3A] {strides = array<i32>} : memref<16xi32, #tpu.memory_space<vmem>>, vector<16xi32>,
    tpu.vector_store %arg17[%swap3A], %broadcast_in_dim3A {strides = array<i32>} : memref<16xi32, #tpu.memory_space<vmem>>, vector<16xi32>,
    %mul3A_43 = arith.constant 128 : i32
    %mul3A_44 = arith.muli %add3A, %mul3A_43 : i32
    "tpu.region"() ({
      %run_scoped3A = tpu.sem_alloc : memref<!tpu.dma_semaphore, #tpu.memory_space<semaphore_mem>>
      %dma_start3A = tpu.memref_slice %arg9[%mul3A_44] : memref<4096xi32, #tpu.memory_space<hbm>> -> memref<128xi32, #tpu.memory_space<hbm>>
      %dma_start3A_50 = tpu.memref_slice %arg9[%mul3A_44] : memref<4096xi32, #tpu.memory_space<hbm>> -> memref<128xi32, #tpu.memory_space<hbm>>
      tpu.enqueue_dma source(%arg13 : memref<128xi32, #tpu.memory_space<vmem>>) target(%dma_start3A_50 : memref<128xi32, #tpu.memory_space<hbm>>) target_semaphore(%run_scoped3A : memref<!tpu.dma_semaphore, #tpu.memory_space<semaphore_mem>>)
      %dma_wait3A = tpu.memref_slice %arg9[%mul3A_44] : memref<4096xi32, #tpu.memory_space<hbm>> -> memref<128xi32, #tpu.memory_space<hbm>>
      %dma_wait3A_51 = tpu.memref_slice %arg9[%mul3A_44] : memref<4096xi32, #tpu.memory_space<hbm>> -> memref<128xi32, #tpu.memory_space<hbm>>
      tpu.wait_dma2 semaphore(%run_scoped3A : memref<!tpu.dma_semaphore, #tpu.memory_space<semaphore_mem>>) src(%arg13 : memref<128xi32, #tpu.memory_space<vmem>>) dst(%dma_wait3A_51 : memref<128xi32, #tpu.memory_space<hbm>>)
      tpu.yield
    }) : () -> ()
    %mul3A_45 = arith.constant 16 : i32
    %mul3A_46 = arith.muli %add3A, %mul3A_45 : i32
    "tpu.region"() ({
      %run_scoped3A = tpu.sem_alloc : memref<!tpu.dma_semaphore, #tpu.memory_space<semaphore_mem>>
      %dma_start3A = tpu.memref_slice %arg10[%mul3A_46] : memref<512xi32, #tpu.memory_space<hbm>> -> memref<16xi32, #tpu.memory_space<hbm>>
      %dma_start3A_50 = tpu.memref_slice %arg10[%mul3A_46] : memref<512xi32, #tpu.memory_space<hbm>> -> memref<16xi32, #tpu.memory_space<hbm>>
      tpu.enqueue_dma source(%arg17 : memref<16xi32, #tpu.memory_space<vmem>>) target(%dma_start3A_50 : memref<16xi32, #tpu.memory_space<hbm>>) target_semaphore(%run_scoped3A : memref<!tpu.dma_semaphore, #tpu.memory_space<semaphore_mem>>)
      %dma_wait3A = tpu.memref_slice %arg10[%mul3A_46] : memref<512xi32, #tpu.memory_space<hbm>> -> memref<16xi32, #tpu.memory_space<hbm>>
      %dma_wait3A_51 = tpu.memref_slice %arg10[%mul3A_46] : memref<512xi32, #tpu.memory_space<hbm>> -> memref<16xi32, #tpu.memory_space<hbm>>
      tpu.wait_dma2 semaphore(%run_scoped3A : memref<!tpu.dma_semaphore, #tpu.memory_space<semaphore_mem>>) src(%arg17 : memref<16xi32, #tpu.memory_space<vmem>>) dst(%dma_wait3A_51 : memref<16xi32, #tpu.memory_space<hbm>>)
      tpu.yield
    }) : () -> ()
    %barrier3A = arith.constant 0 : index
    tpu.barrier barrier_id(%barrier3A)
    %eq3A_47 = arith.constant 0 : i32
    %eq3A_48 = arith.cmpi eq, %select_n3A_30, %eq3A_47 : i32
    %convert_element_type3A = arith.extui %eq3A_48 : i1 to i32
    %cond3A = arith.constant 0 : i32
    %cond3A_49 = arith.cmpi ne, %convert_element_type3A, %cond3A : i32
    scf.if %cond3A_49 {
      %mul3A_50 = arith.constant 128 : i32
      %mul3A_51 = arith.muli %add3A, %mul3A_50 : i32
      "tpu.region"() ({
        %run_scoped3A = tpu.sem_alloc : memref<!tpu.dma_semaphore, #tpu.memory_space<semaphore_mem>>
        %dma_start3A_869 = tpu.memref_slice %arg9[%mul3A_51] : memref<4096xi32, #tpu.memory_space<hbm>> -> memref<512xi32, #tpu.memory_space<hbm>>
        %dma_start3A_870 = tpu.memref_slice %arg9[%mul3A_51] : memref<4096xi32, #tpu.memory_space<hbm>> -> memref<512xi32, #tpu.memory_space<hbm>>
        tpu.enqueue_dma source(%dma_start3A_870 : memref<512xi32, #tpu.memory_space<hbm>>) target(%arg14 : memref<512xi32, #tpu.memory_space<vmem>>) target_semaphore(%run_scoped3A : memref<!tpu.dma_semaphore, #tpu.memory_space<semaphore_mem>>)
        %dma_wait3A_871 = tpu.memref_slice %arg9[%mul3A_51] : memref<4096xi32, #tpu.memory_space<hbm>> -> memref<512xi32, #tpu.memory_space<hbm>>
        %dma_wait3A_872 = tpu.memref_slice %arg9[%mul3A_51] : memref<4096xi32, #tpu.memory_space<hbm>> -> memref<512xi32, #tpu.memory_space<hbm>>
        tpu.wait_dma2 semaphore(%run_scoped3A : memref<!tpu.dma_semaphore, #tpu.memory_space<semaphore_mem>>) src(%dma_wait3A_872 : memref<512xi32, #tpu.memory_space<hbm>>) dst(%arg14 : memref<512xi32, #tpu.memory_space<vmem>>)
        tpu.yield
      }) : () -> ()
      %mul3A_52 = arith.constant 16 : i32
      %mul3A_53 = arith.muli %add3A, %mul3A_52 : i32
      "tpu.region"() ({
        %run_scoped3A = tpu.sem_alloc : memref<!tpu.dma_semaphore, #tpu.memory_space<semaphore_mem>>
        %dma_start3A_869 = tpu.memref_slice %arg10[%mul3A_53] : memref<512xi32, #tpu.memory_space<hbm>> -> memref<64xi32, #tpu.memory_space<hbm>>
        %dma_start3A_870 = tpu.memref_slice %arg10[%mul3A_53] : memref<512xi32, #tpu.memory_space<hbm>> -> memref<64xi32, #tpu.memory_space<hbm>>
        tpu.enqueue_dma source(%dma_start3A_870 : memref<64xi32, #tpu.memory_space<hbm>>) target(%arg15 : memref<64xi32, #tpu.memory_space<vmem>>) target_semaphore(%run_scoped3A : memref<!tpu.dma_semaphore, #tpu.memory_space<semaphore_mem>>)
        %dma_wait3A_871 = tpu.memref_slice %arg10[%mul3A_53] : memref<512xi32, #tpu.memory_space<hbm>> -> memref<64xi32, #tpu.memory_space<hbm>>
        %dma_wait3A_872 = tpu.memref_slice %arg10[%mul3A_53] : memref<512xi32, #tpu.memory_space<hbm>> -> memref<64xi32, #tpu.memory_space<hbm>>
        tpu.wait_dma2 semaphore(%run_scoped3A : memref<!tpu.dma_semaphore, #tpu.memory_space<semaphore_mem>>) src(%dma_wait3A_872 : memref<64xi32, #tpu.memory_space<hbm>>) dst(%arg15 : memref<64xi32, #tpu.memory_space<vmem>>)
        tpu.yield
      }) : () -> ()
      %get3A_54 = arith.constant 0 : index
      %get3A_55 = tpu.vector_load %arg15[%get3A_54] {strides = array<i32>} : memref<64xi32, #tpu.memory_space<vmem>>, vector<16xi32>,
      %get3A_56 = arith.constant 16 : index
      %get3A_57 = tpu.vector_load %arg15[%get3A_56] {strides = array<i32>} : memref<64xi32, #tpu.memory_space<vmem>>, vector<16xi32>,
      %get3A_58 = arith.constant 32 : index
      %get3A_59 = tpu.vector_load %arg15[%get3A_58] {strides = array<i32>} : memref<64xi32, #tpu.memory_space<vmem>>, vector<16xi32>,
      %get3A_60 = arith.constant 48 : index
      %get3A_61 = tpu.vector_load %arg15[%get3A_60] {strides = array<i32>} : memref<64xi32, #tpu.memory_space<vmem>>, vector<16xi32>,
      %add3A_62 = arith.addi %get3A_55, %get3A_57 : vector<16xi32>
      %add3A_63 = arith.addi %add3A_62, %get3A_59 : vector<16xi32>
      %add3A_64 = arith.addi %add3A_63, %get3A_61 : vector<16xi32>
      %add3A_65 = arith.constant 0 : i32
      %add3A_66 = vector.broadcast %add3A_65 : i32 to vector<16xi32>
      %add3A_67 = arith.addi %add3A_66, %iota3A : vector<16xi32>
      %ge3A = arith.cmpi sge, %add3A_67, %get3A_55 : vector<16xi32>
      %jit3A_68 = arith.constant 1 : i32
      %jit3A_69 = arith.constant 0 : i32
      %broadcast_in_dim3A_70 = vector.broadcast %jit3A_68 : i32 to vector<16xi32>
      %broadcast_in_dim3A_71 = vector.broadcast %jit3A_69 : i32 to vector<16xi32>
      %select_n3A_72 = arith.select %ge3A, %broadcast_in_dim3A_70, %broadcast_in_dim3A_71 : vector<16xi1>, vector<16xi32>
      %ge3A_73 = arith.cmpi sge, %add3A_67, %add3A_62 : vector<16xi32>
      %jit3A_74 = arith.constant 1 : i32
      %jit3A_75 = arith.constant 0 : i32
      %broadcast_in_dim3A_76 = vector.broadcast %jit3A_74 : i32 to vector<16xi32>
      %broadcast_in_dim3A_77 = vector.broadcast %jit3A_75 : i32 to vector<16xi32>
      %select_n3A_78 = arith.select %ge3A_73, %broadcast_in_dim3A_76, %broadcast_in_dim3A_77 : vector<16xi1>, vector<16xi32>
      %add3A_79 = arith.addi %select_n3A_72, %select_n3A_78 : vector<16xi32>
      %ge3A_80 = arith.cmpi sge, %add3A_67, %add3A_63 : vector<16xi32>
      %jit3A_81 = arith.constant 1 : i32
      %jit3A_82 = arith.constant 0 : i32
      %broadcast_in_dim3A_83 = vector.broadcast %jit3A_81 : i32 to vector<16xi32>
      %broadcast_in_dim3A_84 = vector.broadcast %jit3A_82 : i32 to vector<16xi32>
      %select_n3A_85 = arith.select %ge3A_80, %broadcast_in_dim3A_83, %broadcast_in_dim3A_84 : vector<16xi1>, vector<16xi32>
      %add3A_86 = arith.addi %add3A_79, %select_n3A_85 : vector<16xi32>
      %ge3A_87 = arith.constant 1 : i32
      %ge3A_88 = vector.broadcast %ge3A_87 : i32 to vector<16xi32>
      %ge3A_89 = arith.cmpi sge, %add3A_86, %ge3A_88 : vector<16xi32>
      %jit3A_90 = arith.constant 0 : i32
      %broadcast_in_dim3A_91 = vector.broadcast %jit3A_90 : i32 to vector<16xi32>
      %select_n3A_92 = arith.select %ge3A_89, %get3A_55, %broadcast_in_dim3A_91 : vector<16xi1>, vector<16xi32>
      %ge3A_93 = arith.constant 2 : i32
      %ge3A_94 = vector.broadcast %ge3A_93 : i32 to vector<16xi32>
      %ge3A_95 = arith.cmpi sge, %add3A_86, %ge3A_94 : vector<16xi32>
      %jit3A_96 = arith.constant 0 : i32
      %broadcast_in_dim3A_97 = vector.broadcast %jit3A_96 : i32 to vector<16xi32>
      %select_n3A_98 = arith.select %ge3A_95, %get3A_57, %broadcast_in_dim3A_97 : vector<16xi1>, vector<16xi32>
      %add3A_99 = arith.addi %select_n3A_92, %select_n3A_98 : vector<16xi32>
      %ge3A_100 = arith.constant 3 : i32
      %ge3A_101 = vector.broadcast %ge3A_100 : i32 to vector<16xi32>
      %ge3A_102 = arith.cmpi sge, %add3A_86, %ge3A_101 : vector<16xi32>
      %jit3A_103 = arith.constant 0 : i32
      %broadcast_in_dim3A_104 = vector.broadcast %jit3A_103 : i32 to vector<16xi32>
      %select_n3A_105 = arith.select %ge3A_102, %get3A_59, %broadcast_in_dim3A_104 : vector<16xi1>, vector<16xi32>
      %add3A_106 = arith.addi %add3A_99, %select_n3A_105 : vector<16xi32>
      %sub3A_107 = arith.subi %add3A_67, %add3A_106 : vector<16xi32>
      %jit3A_108 = arith.constant 0 : i32
      %jit3A_109 = arith.constant 127 : i32
      %max3A = vector.broadcast %jit3A_108 : i32 to vector<16xi32>
      %max3A_110 = arith.maxsi %max3A, %sub3A_107 : vector<16xi32>
      %min3A = vector.broadcast %jit3A_109 : i32 to vector<16xi32>
      %min3A_111 = arith.minsi %min3A, %max3A_110 : vector<16xi32>
      %mul3A_112 = arith.constant 128 : i32
      %mul3A_113 = vector.broadcast %mul3A_112 : i32 to vector<16xi32>
      %mul3A_114 = arith.muli %add3A_86, %mul3A_113 : vector<16xi32>
      %add3A_115 = arith.addi %min3A_111, %mul3A_114 : vector<16xi32>
      %lt3A_116 = arith.cmpi slt, %add3A_67, %add3A_64 : vector<16xi32>
      %gather3A = tpu.vector_load_idx %arg14[%add3A_115] masked %lt3A_116 : memref<512xi32, #tpu.memory_space<vmem>>[vector<16xi32>], vector<16xi32>, vector<16xi1>
      %jit3A_117 = arith.constant 0 : i32
      %broadcast_in_dim3A_118 = vector.broadcast %jit3A_117 : i32 to vector<16xi32>
      %select_n3A_119 = arith.select %lt3A_116, %gather3A, %broadcast_in_dim3A_118 : vector<16xi1>, vector<16xi32>
      %mul3A_120 = arith.constant 20000 : i32
      %mul3A_121 = arith.muli %select_n3A, %mul3A_120 : i32
      %add3A_122 = vector.broadcast %mul3A_121 : i32 to vector<16xi32>
      %add3A_123 = arith.addi %select_n3A_119, %add3A_122 : vector<16xi32>
      %swap3A_124 = arith.constant 0 : index
      %swap3A_125 = tpu.vector_load %arg16[%swap3A_124] {strides = array<i32>} : memref<128xi32, #tpu.memory_space<vmem>>, vector<16xi32>,
      tpu.vector_store %arg16[%swap3A_124], %add3A_123 {strides = array<i32>} : memref<128xi32, #tpu.memory_space<vmem>>, vector<16xi32>,
      %add3A_126 = arith.constant 16 : i32
      %add3A_127 = vector.broadcast %add3A_126 : i32 to vector<16xi32>
      %add3A_128 = arith.addi %add3A_127, %iota3A : vector<16xi32>
      %ge3A_129 = arith.cmpi sge, %add3A_128, %get3A_55 : vector<16xi32>
      %jit3A_130 = arith.constant 1 : i32
      %jit3A_131 = arith.constant 0 : i32
      %broadcast_in_dim3A_132 = vector.broadcast %jit3A_130 : i32 to vector<16xi32>
      %broadcast_in_dim3A_133 = vector.broadcast %jit3A_131 : i32 to vector<16xi32>
      %select_n3A_134 = arith.select %ge3A_129, %broadcast_in_dim3A_132, %broadcast_in_dim3A_133 : vector<16xi1>, vector<16xi32>
      %ge3A_135 = arith.cmpi sge, %add3A_128, %add3A_62 : vector<16xi32>
      %jit3A_136 = arith.constant 1 : i32
      %jit3A_137 = arith.constant 0 : i32
      %broadcast_in_dim3A_138 = vector.broadcast %jit3A_136 : i32 to vector<16xi32>
      %broadcast_in_dim3A_139 = vector.broadcast %jit3A_137 : i32 to vector<16xi32>
      %select_n3A_140 = arith.select %ge3A_135, %broadcast_in_dim3A_138, %broadcast_in_dim3A_139 : vector<16xi1>, vector<16xi32>
      %add3A_141 = arith.addi %select_n3A_134, %select_n3A_140 : vector<16xi32>
      %ge3A_142 = arith.cmpi sge, %add3A_128, %add3A_63 : vector<16xi32>
      %jit3A_143 = arith.constant 1 : i32
      %jit3A_144 = arith.constant 0 : i32
      %broadcast_in_dim3A_145 = vector.broadcast %jit3A_143 : i32 to vector<16xi32>
      %broadcast_in_dim3A_146 = vector.broadcast %jit3A_144 : i32 to vector<16xi32>
      %select_n3A_147 = arith.select %ge3A_142, %broadcast_in_dim3A_145, %broadcast_in_dim3A_146 : vector<16xi1>, vector<16xi32>
      %add3A_148 = arith.addi %add3A_141, %select_n3A_147 : vector<16xi32>
      %ge3A_149 = arith.constant 1 : i32
      %ge3A_150 = vector.broadcast %ge3A_149 : i32 to vector<16xi32>
      %ge3A_151 = arith.cmpi sge, %add3A_148, %ge3A_150 : vector<16xi32>
      %jit3A_152 = arith.constant 0 : i32
      %broadcast_in_dim3A_153 = vector.broadcast %jit3A_152 : i32 to vector<16xi32>
      %select_n3A_154 = arith.select %ge3A_151, %get3A_55, %broadcast_in_dim3A_153 : vector<16xi1>, vector<16xi32>
      %ge3A_155 = arith.constant 2 : i32
      %ge3A_156 = vector.broadcast %ge3A_155 : i32 to vector<16xi32>
      %ge3A_157 = arith.cmpi sge, %add3A_148, %ge3A_156 : vector<16xi32>
      %jit3A_158 = arith.constant 0 : i32
      %broadcast_in_dim3A_159 = vector.broadcast %jit3A_158 : i32 to vector<16xi32>
      %select_n3A_160 = arith.select %ge3A_157, %get3A_57, %broadcast_in_dim3A_159 : vector<16xi1>, vector<16xi32>
      %add3A_161 = arith.addi %select_n3A_154, %select_n3A_160 : vector<16xi32>
      %ge3A_162 = arith.constant 3 : i32
      %ge3A_163 = vector.broadcast %ge3A_162 : i32 to vector<16xi32>
      %ge3A_164 = arith.cmpi sge, %add3A_148, %ge3A_163 : vector<16xi32>
      %jit3A_165 = arith.constant 0 : i32
      %broadcast_in_dim3A_166 = vector.broadcast %jit3A_165 : i32 to vector<16xi32>
      %select_n3A_167 = arith.select %ge3A_164, %get3A_59, %broadcast_in_dim3A_166 : vector<16xi1>, vector<16xi32>
      %add3A_168 = arith.addi %add3A_161, %select_n3A_167 : vector<16xi32>
      %sub3A_169 = arith.subi %add3A_128, %add3A_168 : vector<16xi32>
      %jit3A_170 = arith.constant 0 : i32
      %jit3A_171 = arith.constant 127 : i32
      %max3A_172 = vector.broadcast %jit3A_170 : i32 to vector<16xi32>
      %max3A_173 = arith.maxsi %max3A_172, %sub3A_169 : vector<16xi32>
      %min3A_174 = vector.broadcast %jit3A_171 : i32 to vector<16xi32>
      %min3A_175 = arith.minsi %min3A_174, %max3A_173 : vector<16xi32>
      %mul3A_176 = arith.constant 128 : i32
      %mul3A_177 = vector.broadcast %mul3A_176 : i32 to vector<16xi32>
      %mul3A_178 = arith.muli %add3A_148, %mul3A_177 : vector<16xi32>
      %add3A_179 = arith.addi %min3A_175, %mul3A_178 : vector<16xi32>
      %lt3A_180 = arith.cmpi slt, %add3A_128, %add3A_64 : vector<16xi32>
      %gather3A_181 = tpu.vector_load_idx %arg14[%add3A_179] masked %lt3A_180 : memref<512xi32, #tpu.memory_space<vmem>>[vector<16xi32>], vector<16xi32>, vector<16xi1>
      %jit3A_182 = arith.constant 0 : i32
      %broadcast_in_dim3A_183 = vector.broadcast %jit3A_182 : i32 to vector<16xi32>
      %select_n3A_184 = arith.select %lt3A_180, %gather3A_181, %broadcast_in_dim3A_183 : vector<16xi1>, vector<16xi32>
      %mul3A_185 = arith.constant 20000 : i32
      %mul3A_186 = arith.muli %select_n3A, %mul3A_185 : i32
      %add3A_187 = vector.broadcast %mul3A_186 : i32 to vector<16xi32>
      %add3A_188 = arith.addi %select_n3A_184, %add3A_187 : vector<16xi32>
      %swap3A_189 = arith.constant 16 : index
      %swap3A_190 = tpu.vector_load %arg16[%swap3A_189] {strides = array<i32>} : memref<128xi32, #tpu.memory_space<vmem>>, vector<16xi32>,
      tpu.vector_store %arg16[%swap3A_189], %add3A_188 {strides = array<i32>} : memref<128xi32, #tpu.memory_space<vmem>>, vector<16xi32>,
      %add3A_191 = arith.constant 32 : i32
      %add3A_192 = vector.broadcast %add3A_191 : i32 to vector<16xi32>
      %add3A_193 = arith.addi %add3A_192, %iota3A : vector<16xi32>
      %ge3A_194 = arith.cmpi sge, %add3A_193, %get3A_55 : vector<16xi32>
      %jit3A_195 = arith.constant 1 : i32
      %jit3A_196 = arith.constant 0 : i32
      %broadcast_in_dim3A_197 = vector.broadcast %jit3A_195 : i32 to vector<16xi32>
      %broadcast_in_dim3A_198 = vector.broadcast %jit3A_196 : i32 to vector<16xi32>
      %select_n3A_199 = arith.select %ge3A_194, %broadcast_in_dim3A_197, %broadcast_in_dim3A_198 : vector<16xi1>, vector<16xi32>
      %ge3A_200 = arith.cmpi sge, %add3A_193, %add3A_62 : vector<16xi32>
      %jit3A_201 = arith.constant 1 : i32
      %jit3A_202 = arith.constant 0 : i32
      %broadcast_in_dim3A_203 = vector.broadcast %jit3A_201 : i32 to vector<16xi32>
      %broadcast_in_dim3A_204 = vector.broadcast %jit3A_202 : i32 to vector<16xi32>
      %select_n3A_205 = arith.select %ge3A_200, %broadcast_in_dim3A_203, %broadcast_in_dim3A_204 : vector<16xi1>, vector<16xi32>
      %add3A_206 = arith.addi %select_n3A_199, %select_n3A_205 : vector<16xi32>
      %ge3A_207 = arith.cmpi sge, %add3A_193, %add3A_63 : vector<16xi32>
      %jit3A_208 = arith.constant 1 : i32
      %jit3A_209 = arith.constant 0 : i32
      %broadcast_in_dim3A_210 = vector.broadcast %jit3A_208 : i32 to vector<16xi32>
      %broadcast_in_dim3A_211 = vector.broadcast %jit3A_209 : i32 to vector<16xi32>
      %select_n3A_212 = arith.select %ge3A_207, %broadcast_in_dim3A_210, %broadcast_in_dim3A_211 : vector<16xi1>, vector<16xi32>
      %add3A_213 = arith.addi %add3A_206, %select_n3A_212 : vector<16xi32>
      %ge3A_214 = arith.constant 1 : i32
      %ge3A_215 = vector.broadcast %ge3A_214 : i32 to vector<16xi32>
      %ge3A_216 = arith.cmpi sge, %add3A_213, %ge3A_215 : vector<16xi32>
      %jit3A_217 = arith.constant 0 : i32
      %broadcast_in_dim3A_218 = vector.broadcast %jit3A_217 : i32 to vector<16xi32>
      %select_n3A_219 = arith.select %ge3A_216, %get3A_55, %broadcast_in_dim3A_218 : vector<16xi1>, vector<16xi32>
      %ge3A_220 = arith.constant 2 : i32
      %ge3A_221 = vector.broadcast %ge3A_220 : i32 to vector<16xi32>
      %ge3A_222 = arith.cmpi sge, %add3A_213, %ge3A_221 : vector<16xi32>
      %jit3A_223 = arith.constant 0 : i32
      %broadcast_in_dim3A_224 = vector.broadcast %jit3A_223 : i32 to vector<16xi32>
      %select_n3A_225 = arith.select %ge3A_222, %get3A_57, %broadcast_in_dim3A_224 : vector<16xi1>, vector<16xi32>
      %add3A_226 = arith.addi %select_n3A_219, %select_n3A_225 : vector<16xi32>
      %ge3A_227 = arith.constant 3 : i32
      %ge3A_228 = vector.broadcast %ge3A_227 : i32 to vector<16xi32>
      %ge3A_229 = arith.cmpi sge, %add3A_213, %ge3A_228 : vector<16xi32>
      %jit3A_230 = arith.constant 0 : i32
      %broadcast_in_dim3A_231 = vector.broadcast %jit3A_230 : i32 to vector<16xi32>
      %select_n3A_232 = arith.select %ge3A_229, %get3A_59, %broadcast_in_dim3A_231 : vector<16xi1>, vector<16xi32>
      %add3A_233 = arith.addi %add3A_226, %select_n3A_232 : vector<16xi32>
      %sub3A_234 = arith.subi %add3A_193, %add3A_233 : vector<16xi32>
      %jit3A_235 = arith.constant 0 : i32
      %jit3A_236 = arith.constant 127 : i32
      %max3A_237 = vector.broadcast %jit3A_235 : i32 to vector<16xi32>
      %max3A_238 = arith.maxsi %max3A_237, %sub3A_234 : vector<16xi32>
      %min3A_239 = vector.broadcast %jit3A_236 : i32 to vector<16xi32>
      %min3A_240 = arith.minsi %min3A_239, %max3A_238 : vector<16xi32>
      %mul3A_241 = arith.constant 128 : i32
      %mul3A_242 = vector.broadcast %mul3A_241 : i32 to vector<16xi32>
      %mul3A_243 = arith.muli %add3A_213, %mul3A_242 : vector<16xi32>
      %add3A_244 = arith.addi %min3A_240, %mul3A_243 : vector<16xi32>
      %lt3A_245 = arith.cmpi slt, %add3A_193, %add3A_64 : vector<16xi32>
      %gather3A_246 = tpu.vector_load_idx %arg14[%add3A_244] masked %lt3A_245 : memref<512xi32, #tpu.memory_space<vmem>>[vector<16xi32>], vector<16xi32>, vector<16xi1>
      %jit3A_247 = arith.constant 0 : i32
      %broadcast_in_dim3A_248 = vector.broadcast %jit3A_247 : i32 to vector<16xi32>
      %select_n3A_249 = arith.select %lt3A_245, %gather3A_246, %broadcast_in_dim3A_248 : vector<16xi1>, vector<16xi32>
      %mul3A_250 = arith.constant 20000 : i32
      %mul3A_251 = arith.muli %select_n3A, %mul3A_250 : i32
      %add3A_252 = vector.broadcast %mul3A_251 : i32 to vector<16xi32>
      %add3A_253 = arith.addi %select_n3A_249, %add3A_252 : vector<16xi32>
      %swap3A_254 = arith.constant 32 : index
      %swap3A_255 = tpu.vector_load %arg16[%swap3A_254] {strides = array<i32>} : memref<128xi32, #tpu.memory_space<vmem>>, vector<16xi32>,
      tpu.vector_store %arg16[%swap3A_254], %add3A_253 {strides = array<i32>} : memref<128xi32, #tpu.memory_space<vmem>>, vector<16xi32>,
      %add3A_256 = arith.constant 48 : i32
      %add3A_257 = vector.broadcast %add3A_256 : i32 to vector<16xi32>
      %add3A_258 = arith.addi %add3A_257, %iota3A : vector<16xi32>
      %ge3A_259 = arith.cmpi sge, %add3A_258, %get3A_55 : vector<16xi32>
      %jit3A_260 = arith.constant 1 : i32
      %jit3A_261 = arith.constant 0 : i32
      %broadcast_in_dim3A_262 = vector.broadcast %jit3A_260 : i32 to vector<16xi32>
      %broadcast_in_dim3A_263 = vector.broadcast %jit3A_261 : i32 to vector<16xi32>
      %select_n3A_264 = arith.select %ge3A_259, %broadcast_in_dim3A_262, %broadcast_in_dim3A_263 : vector<16xi1>, vector<16xi32>
      %ge3A_265 = arith.cmpi sge, %add3A_258, %add3A_62 : vector<16xi32>
      %jit3A_266 = arith.constant 1 : i32
      %jit3A_267 = arith.constant 0 : i32
      %broadcast_in_dim3A_268 = vector.broadcast %jit3A_266 : i32 to vector<16xi32>
      %broadcast_in_dim3A_269 = vector.broadcast %jit3A_267 : i32 to vector<16xi32>
      %select_n3A_270 = arith.select %ge3A_265, %broadcast_in_dim3A_268, %broadcast_in_dim3A_269 : vector<16xi1>, vector<16xi32>
      %add3A_271 = arith.addi %select_n3A_264, %select_n3A_270 : vector<16xi32>
      %ge3A_272 = arith.cmpi sge, %add3A_258, %add3A_63 : vector<16xi32>
      %jit3A_273 = arith.constant 1 : i32
      %jit3A_274 = arith.constant 0 : i32
      %broadcast_in_dim3A_275 = vector.broadcast %jit3A_273 : i32 to vector<16xi32>
      %broadcast_in_dim3A_276 = vector.broadcast %jit3A_274 : i32 to vector<16xi32>
      %select_n3A_277 = arith.select %ge3A_272, %broadcast_in_dim3A_275, %broadcast_in_dim3A_276 : vector<16xi1>, vector<16xi32>
      %add3A_278 = arith.addi %add3A_271, %select_n3A_277 : vector<16xi32>
      %ge3A_279 = arith.constant 1 : i32
      %ge3A_280 = vector.broadcast %ge3A_279 : i32 to vector<16xi32>
      %ge3A_281 = arith.cmpi sge, %add3A_278, %ge3A_280 : vector<16xi32>
      %jit3A_282 = arith.constant 0 : i32
      %broadcast_in_dim3A_283 = vector.broadcast %jit3A_282 : i32 to vector<16xi32>
      %select_n3A_284 = arith.select %ge3A_281, %get3A_55, %broadcast_in_dim3A_283 : vector<16xi1>, vector<16xi32>
      %ge3A_285 = arith.constant 2 : i32
      %ge3A_286 = vector.broadcast %ge3A_285 : i32 to vector<16xi32>
      %ge3A_287 = arith.cmpi sge, %add3A_278, %ge3A_286 : vector<16xi32>
      %jit3A_288 = arith.constant 0 : i32
      %broadcast_in_dim3A_289 = vector.broadcast %jit3A_288 : i32 to vector<16xi32>
      %select_n3A_290 = arith.select %ge3A_287, %get3A_57, %broadcast_in_dim3A_289 : vector<16xi1>, vector<16xi32>
      %add3A_291 = arith.addi %select_n3A_284, %select_n3A_290 : vector<16xi32>
      %ge3A_292 = arith.constant 3 : i32
      %ge3A_293 = vector.broadcast %ge3A_292 : i32 to vector<16xi32>
      %ge3A_294 = arith.cmpi sge, %add3A_278, %ge3A_293 : vector<16xi32>
      %jit3A_295 = arith.constant 0 : i32
      %broadcast_in_dim3A_296 = vector.broadcast %jit3A_295 : i32 to vector<16xi32>
      %select_n3A_297 = arith.select %ge3A_294, %get3A_59, %broadcast_in_dim3A_296 : vector<16xi1>, vector<16xi32>
      %add3A_298 = arith.addi %add3A_291, %select_n3A_297 : vector<16xi32>
      %sub3A_299 = arith.subi %add3A_258, %add3A_298 : vector<16xi32>
      %jit3A_300 = arith.constant 0 : i32
      %jit3A_301 = arith.constant 127 : i32
      %max3A_302 = vector.broadcast %jit3A_300 : i32 to vector<16xi32>
      %max3A_303 = arith.maxsi %max3A_302, %sub3A_299 : vector<16xi32>
      %min3A_304 = vector.broadcast %jit3A_301 : i32 to vector<16xi32>
      %min3A_305 = arith.minsi %min3A_304, %max3A_303 : vector<16xi32>
      %mul3A_306 = arith.constant 128 : i32
      %mul3A_307 = vector.broadcast %mul3A_306 : i32 to vector<16xi32>
      %mul3A_308 = arith.muli %add3A_278, %mul3A_307 : vector<16xi32>
      %add3A_309 = arith.addi %min3A_305, %mul3A_308 : vector<16xi32>
      %lt3A_310 = arith.cmpi slt, %add3A_258, %add3A_64 : vector<16xi32>
      %gather3A_311 = tpu.vector_load_idx %arg14[%add3A_309] masked %lt3A_310 : memref<512xi32, #tpu.memory_space<vmem>>[vector<16xi32>], vector<16xi32>, vector<16xi1>
      %jit3A_312 = arith.constant 0 : i32
      %broadcast_in_dim3A_313 = vector.broadcast %jit3A_312 : i32 to vector<16xi32>
      %select_n3A_314 = arith.select %lt3A_310, %gather3A_311, %broadcast_in_dim3A_313 : vector<16xi1>, vector<16xi32>
      %mul3A_315 = arith.constant 20000 : i32
      %mul3A_316 = arith.muli %select_n3A, %mul3A_315 : i32
      %add3A_317 = vector.broadcast %mul3A_316 : i32 to vector<16xi32>
      %add3A_318 = arith.addi %select_n3A_314, %add3A_317 : vector<16xi32>
      %swap3A_319 = arith.constant 48 : index
      %swap3A_320 = tpu.vector_load %arg16[%swap3A_319] {strides = array<i32>} : memref<128xi32, #tpu.memory_space<vmem>>, vector<16xi32>,
      tpu.vector_store %arg16[%swap3A_319], %add3A_318 {strides = array<i32>} : memref<128xi32, #tpu.memory_space<vmem>>, vector<16xi32>,
      %add3A_321 = arith.constant 64 : i32
      %add3A_322 = vector.broadcast %add3A_321 : i32 to vector<16xi32>
      %add3A_323 = arith.addi %add3A_322, %iota3A : vector<16xi32>
      %ge3A_324 = arith.cmpi sge, %add3A_323, %get3A_55 : vector<16xi32>
      %jit3A_325 = arith.constant 1 : i32
      %jit3A_326 = arith.constant 0 : i32
      %broadcast_in_dim3A_327 = vector.broadcast %jit3A_325 : i32 to vector<16xi32>
      %broadcast_in_dim3A_328 = vector.broadcast %jit3A_326 : i32 to vector<16xi32>
      %select_n3A_329 = arith.select %ge3A_324, %broadcast_in_dim3A_327, %broadcast_in_dim3A_328 : vector<16xi1>, vector<16xi32>
      %ge3A_330 = arith.cmpi sge, %add3A_323, %add3A_62 : vector<16xi32>
      %jit3A_331 = arith.constant 1 : i32
      %jit3A_332 = arith.constant 0 : i32
      %broadcast_in_dim3A_333 = vector.broadcast %jit3A_331 : i32 to vector<16xi32>
      %broadcast_in_dim3A_334 = vector.broadcast %jit3A_332 : i32 to vector<16xi32>
      %select_n3A_335 = arith.select %ge3A_330, %broadcast_in_dim3A_333, %broadcast_in_dim3A_334 : vector<16xi1>, vector<16xi32>
      %add3A_336 = arith.addi %select_n3A_329, %select_n3A_335 : vector<16xi32>
      %ge3A_337 = arith.cmpi sge, %add3A_323, %add3A_63 : vector<16xi32>
      %jit3A_338 = arith.constant 1 : i32
      %jit3A_339 = arith.constant 0 : i32
      %broadcast_in_dim3A_340 = vector.broadcast %jit3A_338 : i32 to vector<16xi32>
      %broadcast_in_dim3A_341 = vector.broadcast %jit3A_339 : i32 to vector<16xi32>
      %select_n3A_342 = arith.select %ge3A_337, %broadcast_in_dim3A_340, %broadcast_in_dim3A_341 : vector<16xi1>, vector<16xi32>
      %add3A_343 = arith.addi %add3A_336, %select_n3A_342 : vector<16xi32>
      %ge3A_344 = arith.constant 1 : i32
      %ge3A_345 = vector.broadcast %ge3A_344 : i32 to vector<16xi32>
      %ge3A_346 = arith.cmpi sge, %add3A_343, %ge3A_345 : vector<16xi32>
      %jit3A_347 = arith.constant 0 : i32
      %broadcast_in_dim3A_348 = vector.broadcast %jit3A_347 : i32 to vector<16xi32>
      %select_n3A_349 = arith.select %ge3A_346, %get3A_55, %broadcast_in_dim3A_348 : vector<16xi1>, vector<16xi32>
      %ge3A_350 = arith.constant 2 : i32
      %ge3A_351 = vector.broadcast %ge3A_350 : i32 to vector<16xi32>
      %ge3A_352 = arith.cmpi sge, %add3A_343, %ge3A_351 : vector<16xi32>
      %jit3A_353 = arith.constant 0 : i32
      %broadcast_in_dim3A_354 = vector.broadcast %jit3A_353 : i32 to vector<16xi32>
      %select_n3A_355 = arith.select %ge3A_352, %get3A_57, %broadcast_in_dim3A_354 : vector<16xi1>, vector<16xi32>
      %add3A_356 = arith.addi %select_n3A_349, %select_n3A_355 : vector<16xi32>
      %ge3A_357 = arith.constant 3 : i32
      %ge3A_358 = vector.broadcast %ge3A_357 : i32 to vector<16xi32>
      %ge3A_359 = arith.cmpi sge, %add3A_343, %ge3A_358 : vector<16xi32>
      %jit3A_360 = arith.constant 0 : i32
      %broadcast_in_dim3A_361 = vector.broadcast %jit3A_360 : i32 to vector<16xi32>
      %select_n3A_362 = arith.select %ge3A_359, %get3A_59, %broadcast_in_dim3A_361 : vector<16xi1>, vector<16xi32>
      %add3A_363 = arith.addi %add3A_356, %select_n3A_362 : vector<16xi32>
      %sub3A_364 = arith.subi %add3A_323, %add3A_363 : vector<16xi32>
      %jit3A_365 = arith.constant 0 : i32
      %jit3A_366 = arith.constant 127 : i32
      %max3A_367 = vector.broadcast %jit3A_365 : i32 to vector<16xi32>
      %max3A_368 = arith.maxsi %max3A_367, %sub3A_364 : vector<16xi32>
      %min3A_369 = vector.broadcast %jit3A_366 : i32 to vector<16xi32>
      %min3A_370 = arith.minsi %min3A_369, %max3A_368 : vector<16xi32>
      %mul3A_371 = arith.constant 128 : i32
      %mul3A_372 = vector.broadcast %mul3A_371 : i32 to vector<16xi32>
      %mul3A_373 = arith.muli %add3A_343, %mul3A_372 : vector<16xi32>
      %add3A_374 = arith.addi %min3A_370, %mul3A_373 : vector<16xi32>
      %lt3A_375 = arith.cmpi slt, %add3A_323, %add3A_64 : vector<16xi32>
      %gather3A_376 = tpu.vector_load_idx %arg14[%add3A_374] masked %lt3A_375 : memref<512xi32, #tpu.memory_space<vmem>>[vector<16xi32>], vector<16xi32>, vector<16xi1>
      %jit3A_377 = arith.constant 0 : i32
      %broadcast_in_dim3A_378 = vector.broadcast %jit3A_377 : i32 to vector<16xi32>
      %select_n3A_379 = arith.select %lt3A_375, %gather3A_376, %broadcast_in_dim3A_378 : vector<16xi1>, vector<16xi32>
      %mul3A_380 = arith.constant 20000 : i32
      %mul3A_381 = arith.muli %select_n3A, %mul3A_380 : i32
      %add3A_382 = vector.broadcast %mul3A_381 : i32 to vector<16xi32>
      %add3A_383 = arith.addi %select_n3A_379, %add3A_382 : vector<16xi32>
      %swap3A_384 = arith.constant 64 : index
      %swap3A_385 = tpu.vector_load %arg16[%swap3A_384] {strides = array<i32>} : memref<128xi32, #tpu.memory_space<vmem>>, vector<16xi32>,
      tpu.vector_store %arg16[%swap3A_384], %add3A_383 {strides = array<i32>} : memref<128xi32, #tpu.memory_space<vmem>>, vector<16xi32>,
      %add3A_386 = arith.constant 80 : i32
      %add3A_387 = vector.broadcast %add3A_386 : i32 to vector<16xi32>
      %add3A_388 = arith.addi %add3A_387, %iota3A : vector<16xi32>
      %ge3A_389 = arith.cmpi sge, %add3A_388, %get3A_55 : vector<16xi32>
      %jit3A_390 = arith.constant 1 : i32
      %jit3A_391 = arith.constant 0 : i32
      %broadcast_in_dim3A_392 = vector.broadcast %jit3A_390 : i32 to vector<16xi32>
      %broadcast_in_dim3A_393 = vector.broadcast %jit3A_391 : i32 to vector<16xi32>
      %select_n3A_394 = arith.select %ge3A_389, %broadcast_in_dim3A_392, %broadcast_in_dim3A_393 : vector<16xi1>, vector<16xi32>
      %ge3A_395 = arith.cmpi sge, %add3A_388, %add3A_62 : vector<16xi32>
      %jit3A_396 = arith.constant 1 : i32
      %jit3A_397 = arith.constant 0 : i32
      %broadcast_in_dim3A_398 = vector.broadcast %jit3A_396 : i32 to vector<16xi32>
      %broadcast_in_dim3A_399 = vector.broadcast %jit3A_397 : i32 to vector<16xi32>
      %select_n3A_400 = arith.select %ge3A_395, %broadcast_in_dim3A_398, %broadcast_in_dim3A_399 : vector<16xi1>, vector<16xi32>
      %add3A_401 = arith.addi %select_n3A_394, %select_n3A_400 : vector<16xi32>
      %ge3A_402 = arith.cmpi sge, %add3A_388, %add3A_63 : vector<16xi32>
      %jit3A_403 = arith.constant 1 : i32
      %jit3A_404 = arith.constant 0 : i32
      %broadcast_in_dim3A_405 = vector.broadcast %jit3A_403 : i32 to vector<16xi32>
      %broadcast_in_dim3A_406 = vector.broadcast %jit3A_404 : i32 to vector<16xi32>
      %select_n3A_407 = arith.select %ge3A_402, %broadcast_in_dim3A_405, %broadcast_in_dim3A_406 : vector<16xi1>, vector<16xi32>
      %add3A_408 = arith.addi %add3A_401, %select_n3A_407 : vector<16xi32>
      %ge3A_409 = arith.constant 1 : i32
      %ge3A_410 = vector.broadcast %ge3A_409 : i32 to vector<16xi32>
      %ge3A_411 = arith.cmpi sge, %add3A_408, %ge3A_410 : vector<16xi32>
      %jit3A_412 = arith.constant 0 : i32
      %broadcast_in_dim3A_413 = vector.broadcast %jit3A_412 : i32 to vector<16xi32>
      %select_n3A_414 = arith.select %ge3A_411, %get3A_55, %broadcast_in_dim3A_413 : vector<16xi1>, vector<16xi32>
      %ge3A_415 = arith.constant 2 : i32
      %ge3A_416 = vector.broadcast %ge3A_415 : i32 to vector<16xi32>
      %ge3A_417 = arith.cmpi sge, %add3A_408, %ge3A_416 : vector<16xi32>
      %jit3A_418 = arith.constant 0 : i32
      %broadcast_in_dim3A_419 = vector.broadcast %jit3A_418 : i32 to vector<16xi32>
      %select_n3A_420 = arith.select %ge3A_417, %get3A_57, %broadcast_in_dim3A_419 : vector<16xi1>, vector<16xi32>
      %add3A_421 = arith.addi %select_n3A_414, %select_n3A_420 : vector<16xi32>
      %ge3A_422 = arith.constant 3 : i32
      %ge3A_423 = vector.broadcast %ge3A_422 : i32 to vector<16xi32>
      %ge3A_424 = arith.cmpi sge, %add3A_408, %ge3A_423 : vector<16xi32>
      %jit3A_425 = arith.constant 0 : i32
      %broadcast_in_dim3A_426 = vector.broadcast %jit3A_425 : i32 to vector<16xi32>
      %select_n3A_427 = arith.select %ge3A_424, %get3A_59, %broadcast_in_dim3A_426 : vector<16xi1>, vector<16xi32>
      %add3A_428 = arith.addi %add3A_421, %select_n3A_427 : vector<16xi32>
      %sub3A_429 = arith.subi %add3A_388, %add3A_428 : vector<16xi32>
      %jit3A_430 = arith.constant 0 : i32
      %jit3A_431 = arith.constant 127 : i32
      %max3A_432 = vector.broadcast %jit3A_430 : i32 to vector<16xi32>
      %max3A_433 = arith.maxsi %max3A_432, %sub3A_429 : vector<16xi32>
      %min3A_434 = vector.broadcast %jit3A_431 : i32 to vector<16xi32>
      %min3A_435 = arith.minsi %min3A_434, %max3A_433 : vector<16xi32>
      %mul3A_436 = arith.constant 128 : i32
      %mul3A_437 = vector.broadcast %mul3A_436 : i32 to vector<16xi32>
      %mul3A_438 = arith.muli %add3A_408, %mul3A_437 : vector<16xi32>
      %add3A_439 = arith.addi %min3A_435, %mul3A_438 : vector<16xi32>
      %lt3A_440 = arith.cmpi slt, %add3A_388, %add3A_64 : vector<16xi32>
      %gather3A_441 = tpu.vector_load_idx %arg14[%add3A_439] masked %lt3A_440 : memref<512xi32, #tpu.memory_space<vmem>>[vector<16xi32>], vector<16xi32>, vector<16xi1>
      %jit3A_442 = arith.constant 0 : i32
      %broadcast_in_dim3A_443 = vector.broadcast %jit3A_442 : i32 to vector<16xi32>
      %select_n3A_444 = arith.select %lt3A_440, %gather3A_441, %broadcast_in_dim3A_443 : vector<16xi1>, vector<16xi32>
      %mul3A_445 = arith.constant 20000 : i32
      %mul3A_446 = arith.muli %select_n3A, %mul3A_445 : i32
      %add3A_447 = vector.broadcast %mul3A_446 : i32 to vector<16xi32>
      %add3A_448 = arith.addi %select_n3A_444, %add3A_447 : vector<16xi32>
      %swap3A_449 = arith.constant 80 : index
      %swap3A_450 = tpu.vector_load %arg16[%swap3A_449] {strides = array<i32>} : memref<128xi32, #tpu.memory_space<vmem>>, vector<16xi32>,
      tpu.vector_store %arg16[%swap3A_449], %add3A_448 {strides = array<i32>} : memref<128xi32, #tpu.memory_space<vmem>>, vector<16xi32>,
      %add3A_451 = arith.constant 96 : i32
      %add3A_452 = vector.broadcast %add3A_451 : i32 to vector<16xi32>
      %add3A_453 = arith.addi %add3A_452, %iota3A : vector<16xi32>
      %ge3A_454 = arith.cmpi sge, %add3A_453, %get3A_55 : vector<16xi32>
      %jit3A_455 = arith.constant 1 : i32
      %jit3A_456 = arith.constant 0 : i32
      %broadcast_in_dim3A_457 = vector.broadcast %jit3A_455 : i32 to vector<16xi32>
      %broadcast_in_dim3A_458 = vector.broadcast %jit3A_456 : i32 to vector<16xi32>
      %select_n3A_459 = arith.select %ge3A_454, %broadcast_in_dim3A_457, %broadcast_in_dim3A_458 : vector<16xi1>, vector<16xi32>
      %ge3A_460 = arith.cmpi sge, %add3A_453, %add3A_62 : vector<16xi32>
      %jit3A_461 = arith.constant 1 : i32
      %jit3A_462 = arith.constant 0 : i32
      %broadcast_in_dim3A_463 = vector.broadcast %jit3A_461 : i32 to vector<16xi32>
      %broadcast_in_dim3A_464 = vector.broadcast %jit3A_462 : i32 to vector<16xi32>
      %select_n3A_465 = arith.select %ge3A_460, %broadcast_in_dim3A_463, %broadcast_in_dim3A_464 : vector<16xi1>, vector<16xi32>
      %add3A_466 = arith.addi %select_n3A_459, %select_n3A_465 : vector<16xi32>
      %ge3A_467 = arith.cmpi sge, %add3A_453, %add3A_63 : vector<16xi32>
      %jit3A_468 = arith.constant 1 : i32
      %jit3A_469 = arith.constant 0 : i32
      %broadcast_in_dim3A_470 = vector.broadcast %jit3A_468 : i32 to vector<16xi32>
      %broadcast_in_dim3A_471 = vector.broadcast %jit3A_469 : i32 to vector<16xi32>
      %select_n3A_472 = arith.select %ge3A_467, %broadcast_in_dim3A_470, %broadcast_in_dim3A_471 : vector<16xi1>, vector<16xi32>
      %add3A_473 = arith.addi %add3A_466, %select_n3A_472 : vector<16xi32>
      %ge3A_474 = arith.constant 1 : i32
      %ge3A_475 = vector.broadcast %ge3A_474 : i32 to vector<16xi32>
      %ge3A_476 = arith.cmpi sge, %add3A_473, %ge3A_475 : vector<16xi32>
      %jit3A_477 = arith.constant 0 : i32
      %broadcast_in_dim3A_478 = vector.broadcast %jit3A_477 : i32 to vector<16xi32>
      %select_n3A_479 = arith.select %ge3A_476, %get3A_55, %broadcast_in_dim3A_478 : vector<16xi1>, vector<16xi32>
      %ge3A_480 = arith.constant 2 : i32
      %ge3A_481 = vector.broadcast %ge3A_480 : i32 to vector<16xi32>
      %ge3A_482 = arith.cmpi sge, %add3A_473, %ge3A_481 : vector<16xi32>
      %jit3A_483 = arith.constant 0 : i32
      %broadcast_in_dim3A_484 = vector.broadcast %jit3A_483 : i32 to vector<16xi32>
      %select_n3A_485 = arith.select %ge3A_482, %get3A_57, %broadcast_in_dim3A_484 : vector<16xi1>, vector<16xi32>
      %add3A_486 = arith.addi %select_n3A_479, %select_n3A_485 : vector<16xi32>
      %ge3A_487 = arith.constant 3 : i32
      %ge3A_488 = vector.broadcast %ge3A_487 : i32 to vector<16xi32>
      %ge3A_489 = arith.cmpi sge, %add3A_473, %ge3A_488 : vector<16xi32>
      %jit3A_490 = arith.constant 0 : i32
      %broadcast_in_dim3A_491 = vector.broadcast %jit3A_490 : i32 to vector<16xi32>
      %select_n3A_492 = arith.select %ge3A_489, %get3A_59, %broadcast_in_dim3A_491 : vector<16xi1>, vector<16xi32>
      %add3A_493 = arith.addi %add3A_486, %select_n3A_492 : vector<16xi32>
      %sub3A_494 = arith.subi %add3A_453, %add3A_493 : vector<16xi32>
      %jit3A_495 = arith.constant 0 : i32
      %jit3A_496 = arith.constant 127 : i32
      %max3A_497 = vector.broadcast %jit3A_495 : i32 to vector<16xi32>
      %max3A_498 = arith.maxsi %max3A_497, %sub3A_494 : vector<16xi32>
      %min3A_499 = vector.broadcast %jit3A_496 : i32 to vector<16xi32>
      %min3A_500 = arith.minsi %min3A_499, %max3A_498 : vector<16xi32>
      %mul3A_501 = arith.constant 128 : i32
      %mul3A_502 = vector.broadcast %mul3A_501 : i32 to vector<16xi32>
      %mul3A_503 = arith.muli %add3A_473, %mul3A_502 : vector<16xi32>
      %add3A_504 = arith.addi %min3A_500, %mul3A_503 : vector<16xi32>
      %lt3A_505 = arith.cmpi slt, %add3A_453, %add3A_64 : vector<16xi32>
      %gather3A_506 = tpu.vector_load_idx %arg14[%add3A_504] masked %lt3A_505 : memref<512xi32, #tpu.memory_space<vmem>>[vector<16xi32>], vector<16xi32>, vector<16xi1>
      %jit3A_507 = arith.constant 0 : i32
      %broadcast_in_dim3A_508 = vector.broadcast %jit3A_507 : i32 to vector<16xi32>
      %select_n3A_509 = arith.select %lt3A_505, %gather3A_506, %broadcast_in_dim3A_508 : vector<16xi1>, vector<16xi32>
      %mul3A_510 = arith.constant 20000 : i32
      %mul3A_511 = arith.muli %select_n3A, %mul3A_510 : i32
      %add3A_512 = vector.broadcast %mul3A_511 : i32 to vector<16xi32>
      %add3A_513 = arith.addi %select_n3A_509, %add3A_512 : vector<16xi32>
      %swap3A_514 = arith.constant 96 : index
      %swap3A_515 = tpu.vector_load %arg16[%swap3A_514] {strides = array<i32>} : memref<128xi32, #tpu.memory_space<vmem>>, vector<16xi32>,
      tpu.vector_store %arg16[%swap3A_514], %add3A_513 {strides = array<i32>} : memref<128xi32, #tpu.memory_space<vmem>>, vector<16xi32>,
      %add3A_516 = arith.constant 112 : i32
      %add3A_517 = vector.broadcast %add3A_516 : i32 to vector<16xi32>
      %add3A_518 = arith.addi %add3A_517, %iota3A : vector<16xi32>
      %ge3A_519 = arith.cmpi sge, %add3A_518, %get3A_55 : vector<16xi32>
      %jit3A_520 = arith.constant 1 : i32
      %jit3A_521 = arith.constant 0 : i32
      %broadcast_in_dim3A_522 = vector.broadcast %jit3A_520 : i32 to vector<16xi32>
      %broadcast_in_dim3A_523 = vector.broadcast %jit3A_521 : i32 to vector<16xi32>
      %select_n3A_524 = arith.select %ge3A_519, %broadcast_in_dim3A_522, %broadcast_in_dim3A_523 : vector<16xi1>, vector<16xi32>
      %ge3A_525 = arith.cmpi sge, %add3A_518, %add3A_62 : vector<16xi32>
      %jit3A_526 = arith.constant 1 : i32
      %jit3A_527 = arith.constant 0 : i32
      %broadcast_in_dim3A_528 = vector.broadcast %jit3A_526 : i32 to vector<16xi32>
      %broadcast_in_dim3A_529 = vector.broadcast %jit3A_527 : i32 to vector<16xi32>
      %select_n3A_530 = arith.select %ge3A_525, %broadcast_in_dim3A_528, %broadcast_in_dim3A_529 : vector<16xi1>, vector<16xi32>
      %add3A_531 = arith.addi %select_n3A_524, %select_n3A_530 : vector<16xi32>
      %ge3A_532 = arith.cmpi sge, %add3A_518, %add3A_63 : vector<16xi32>
      %jit3A_533 = arith.constant 1 : i32
      %jit3A_534 = arith.constant 0 : i32
      %broadcast_in_dim3A_535 = vector.broadcast %jit3A_533 : i32 to vector<16xi32>
      %broadcast_in_dim3A_536 = vector.broadcast %jit3A_534 : i32 to vector<16xi32>
      %select_n3A_537 = arith.select %ge3A_532, %broadcast_in_dim3A_535, %broadcast_in_dim3A_536 : vector<16xi1>, vector<16xi32>
      %add3A_538 = arith.addi %add3A_531, %select_n3A_537 : vector<16xi32>
      %ge3A_539 = arith.constant 1 : i32
      %ge3A_540 = vector.broadcast %ge3A_539 : i32 to vector<16xi32>
      %ge3A_541 = arith.cmpi sge, %add3A_538, %ge3A_540 : vector<16xi32>
      %jit3A_542 = arith.constant 0 : i32
      %broadcast_in_dim3A_543 = vector.broadcast %jit3A_542 : i32 to vector<16xi32>
      %select_n3A_544 = arith.select %ge3A_541, %get3A_55, %broadcast_in_dim3A_543 : vector<16xi1>, vector<16xi32>
      %ge3A_545 = arith.constant 2 : i32
      %ge3A_546 = vector.broadcast %ge3A_545 : i32 to vector<16xi32>
      %ge3A_547 = arith.cmpi sge, %add3A_538, %ge3A_546 : vector<16xi32>
      %jit3A_548 = arith.constant 0 : i32
      %broadcast_in_dim3A_549 = vector.broadcast %jit3A_548 : i32 to vector<16xi32>
      %select_n3A_550 = arith.select %ge3A_547, %get3A_57, %broadcast_in_dim3A_549 : vector<16xi1>, vector<16xi32>
      %add3A_551 = arith.addi %select_n3A_544, %select_n3A_550 : vector<16xi32>
      %ge3A_552 = arith.constant 3 : i32
      %ge3A_553 = vector.broadcast %ge3A_552 : i32 to vector<16xi32>
      %ge3A_554 = arith.cmpi sge, %add3A_538, %ge3A_553 : vector<16xi32>
      %jit3A_555 = arith.constant 0 : i32
      %broadcast_in_dim3A_556 = vector.broadcast %jit3A_555 : i32 to vector<16xi32>
      %select_n3A_557 = arith.select %ge3A_554, %get3A_59, %broadcast_in_dim3A_556 : vector<16xi1>, vector<16xi32>
      %add3A_558 = arith.addi %add3A_551, %select_n3A_557 : vector<16xi32>
      %sub3A_559 = arith.subi %add3A_518, %add3A_558 : vector<16xi32>
      %jit3A_560 = arith.constant 0 : i32
      %jit3A_561 = arith.constant 127 : i32
      %max3A_562 = vector.broadcast %jit3A_560 : i32 to vector<16xi32>
      %max3A_563 = arith.maxsi %max3A_562, %sub3A_559 : vector<16xi32>
      %min3A_564 = vector.broadcast %jit3A_561 : i32 to vector<16xi32>
      %min3A_565 = arith.minsi %min3A_564, %max3A_563 : vector<16xi32>
      %mul3A_566 = arith.constant 128 : i32
      %mul3A_567 = vector.broadcast %mul3A_566 : i32 to vector<16xi32>
      %mul3A_568 = arith.muli %add3A_538, %mul3A_567 : vector<16xi32>
      %add3A_569 = arith.addi %min3A_565, %mul3A_568 : vector<16xi32>
      %lt3A_570 = arith.cmpi slt, %add3A_518, %add3A_64 : vector<16xi32>
      %gather3A_571 = tpu.vector_load_idx %arg14[%add3A_569] masked %lt3A_570 : memref<512xi32, #tpu.memory_space<vmem>>[vector<16xi32>], vector<16xi32>, vector<16xi1>
      %jit3A_572 = arith.constant 0 : i32
      %broadcast_in_dim3A_573 = vector.broadcast %jit3A_572 : i32 to vector<16xi32>
      %select_n3A_574 = arith.select %lt3A_570, %gather3A_571, %broadcast_in_dim3A_573 : vector<16xi1>, vector<16xi32>
      %mul3A_575 = arith.constant 20000 : i32
      %mul3A_576 = arith.muli %select_n3A, %mul3A_575 : i32
      %add3A_577 = vector.broadcast %mul3A_576 : i32 to vector<16xi32>
      %add3A_578 = arith.addi %select_n3A_574, %add3A_577 : vector<16xi32>
      %swap3A_579 = arith.constant 112 : index
      %swap3A_580 = tpu.vector_load %arg16[%swap3A_579] {strides = array<i32>} : memref<128xi32, #tpu.memory_space<vmem>>, vector<16xi32>,
      tpu.vector_store %arg16[%swap3A_579], %add3A_578 {strides = array<i32>} : memref<128xi32, #tpu.memory_space<vmem>>, vector<16xi32>,
      %add3A_581 = arith.constant 0 : i32
      %add3A_582 = vector.broadcast %add3A_581 : i32 to vector<16xi32>
      %add3A_583 = arith.addi %add3A_582, %iota3A : vector<16xi32>
      %gather3A_584 = tpu.vector_load_idx %arg16[%add3A_583] : memref<128xi32, #tpu.memory_space<vmem>>[vector<16xi32>], vector<16xi32>,
      %mul3A_585 = arith.constant 91 : i32
      %mul3A_586 = vector.broadcast %mul3A_585 : i32 to vector<16xi32>
      %mul3A_587 = arith.muli %gather3A_584, %mul3A_586 : vector<16xi32>
      %shift_right_arithmetic3A = arith.constant 7 : i32
      %shift_right_arithmetic3A_588 = vector.broadcast %shift_right_arithmetic3A : i32 to vector<16xi32>
      %shift_right_arithmetic3A_589 = arith.shrsi %mul3A_587, %shift_right_arithmetic3A_588 : vector<16xi32>
      %swap3A_590 = arith.constant 0 : index
      %swap3A_591 = tpu.vector_load %arg18[%swap3A_590] {strides = array<i32>} : memref<128xi32, #tpu.memory_space<vmem>>, vector<16xi32>,
      tpu.vector_store %arg18[%swap3A_590], %shift_right_arithmetic3A_589 {strides = array<i32>} : memref<128xi32, #tpu.memory_space<vmem>>, vector<16xi32>,
      %add3A_592 = arith.constant 1 : i32
      %add3A_593 = vector.broadcast %add3A_592 : i32 to vector<16xi32>
      %add3A_594 = arith.addi %shift_right_arithmetic3A_589, %add3A_593 : vector<16xi32>
      %min3A_595 = arith.constant 113749 : i32
      %min3A_596 = vector.broadcast %min3A_595 : i32 to vector<16xi32>
      %min3A_597 = arith.minsi %add3A_594, %min3A_596 : vector<16xi32>
      %swap3A_598 = arith.constant 0 : index
      %swap3A_599 = tpu.vector_load %arg19[%swap3A_598] {strides = array<i32>} : memref<128xi32, #tpu.memory_space<vmem>>, vector<16xi32>,
      tpu.vector_store %arg19[%swap3A_598], %min3A_597 {strides = array<i32>} : memref<128xi32, #tpu.memory_space<vmem>>, vector<16xi32>,
      %add3A_600 = arith.constant 16 : i32
      %add3A_601 = vector.broadcast %add3A_600 : i32 to vector<16xi32>
      %add3A_602 = arith.addi %add3A_601, %iota3A : vector<16xi32>
      %gather3A_603 = tpu.vector_load_idx %arg16[%add3A_602] : memref<128xi32, #tpu.memory_space<vmem>>[vector<16xi32>], vector<16xi32>,
      %mul3A_604 = arith.constant 91 : i32
      %mul3A_605 = vector.broadcast %mul3A_604 : i32 to vector<16xi32>
      %mul3A_606 = arith.muli %gather3A_603, %mul3A_605 : vector<16xi32>
      %shift_right_arithmetic3A_607 = arith.constant 7 : i32
      %shift_right_arithmetic3A_608 = vector.broadcast %shift_right_arithmetic3A_607 : i32 to vector<16xi32>
      %shift_right_arithmetic3A_609 = arith.shrsi %mul3A_606, %shift_right_arithmetic3A_608 : vector<16xi32>
      %swap3A_610 = arith.constant 16 : index
      %swap3A_611 = tpu.vector_load %arg18[%swap3A_610] {strides = array<i32>} : memref<128xi32, #tpu.memory_space<vmem>>, vector<16xi32>,
      tpu.vector_store %arg18[%swap3A_610], %shift_right_arithmetic3A_609 {strides = array<i32>} : memref<128xi32, #tpu.memory_space<vmem>>, vector<16xi32>,
      %add3A_612 = arith.constant 1 : i32
      %add3A_613 = vector.broadcast %add3A_612 : i32 to vector<16xi32>
      %add3A_614 = arith.addi %shift_right_arithmetic3A_609, %add3A_613 : vector<16xi32>
      %min3A_615 = arith.constant 113749 : i32
      %min3A_616 = vector.broadcast %min3A_615 : i32 to vector<16xi32>
      %min3A_617 = arith.minsi %add3A_614, %min3A_616 : vector<16xi32>
      %swap3A_618 = arith.constant 16 : index
      %swap3A_619 = tpu.vector_load %arg19[%swap3A_618] {strides = array<i32>} : memref<128xi32, #tpu.memory_space<vmem>>, vector<16xi32>,
      tpu.vector_store %arg19[%swap3A_618], %min3A_617 {strides = array<i32>} : memref<128xi32, #tpu.memory_space<vmem>>, vector<16xi32>,
      %add3A_620 = arith.constant 32 : i32
      %add3A_621 = vector.broadcast %add3A_620 : i32 to vector<16xi32>
      %add3A_622 = arith.addi %add3A_621, %iota3A : vector<16xi32>
      %gather3A_623 = tpu.vector_load_idx %arg16[%add3A_622] : memref<128xi32, #tpu.memory_space<vmem>>[vector<16xi32>], vector<16xi32>,
      %mul3A_624 = arith.constant 91 : i32
      %mul3A_625 = vector.broadcast %mul3A_624 : i32 to vector<16xi32>
      %mul3A_626 = arith.muli %gather3A_623, %mul3A_625 : vector<16xi32>
      %shift_right_arithmetic3A_627 = arith.constant 7 : i32
      %shift_right_arithmetic3A_628 = vector.broadcast %shift_right_arithmetic3A_627 : i32 to vector<16xi32>
      %shift_right_arithmetic3A_629 = arith.shrsi %mul3A_626, %shift_right_arithmetic3A_628 : vector<16xi32>
      %swap3A_630 = arith.constant 32 : index
      %swap3A_631 = tpu.vector_load %arg18[%swap3A_630] {strides = array<i32>} : memref<128xi32, #tpu.memory_space<vmem>>, vector<16xi32>,
      tpu.vector_store %arg18[%swap3A_630], %shift_right_arithmetic3A_629 {strides = array<i32>} : memref<128xi32, #tpu.memory_space<vmem>>, vector<16xi32>,
      %add3A_632 = arith.constant 1 : i32
      %add3A_633 = vector.broadcast %add3A_632 : i32 to vector<16xi32>
      %add3A_634 = arith.addi %shift_right_arithmetic3A_629, %add3A_633 : vector<16xi32>
      %min3A_635 = arith.constant 113749 : i32
      %min3A_636 = vector.broadcast %min3A_635 : i32 to vector<16xi32>
      %min3A_637 = arith.minsi %add3A_634, %min3A_636 : vector<16xi32>
      %swap3A_638 = arith.constant 32 : index
      %swap3A_639 = tpu.vector_load %arg19[%swap3A_638] {strides = array<i32>} : memref<128xi32, #tpu.memory_space<vmem>>, vector<16xi32>,
      tpu.vector_store %arg19[%swap3A_638], %min3A_637 {strides = array<i32>} : memref<128xi32, #tpu.memory_space<vmem>>, vector<16xi32>,
      %add3A_640 = arith.constant 48 : i32
      %add3A_641 = vector.broadcast %add3A_640 : i32 to vector<16xi32>
      %add3A_642 = arith.addi %add3A_641, %iota3A : vector<16xi32>
      %gather3A_643 = tpu.vector_load_idx %arg16[%add3A_642] : memref<128xi32, #tpu.memory_space<vmem>>[vector<16xi32>], vector<16xi32>,
      %mul3A_644 = arith.constant 91 : i32
      %mul3A_645 = vector.broadcast %mul3A_644 : i32 to vector<16xi32>
      %mul3A_646 = arith.muli %gather3A_643, %mul3A_645 : vector<16xi32>
      %shift_right_arithmetic3A_647 = arith.constant 7 : i32
      %shift_right_arithmetic3A_648 = vector.broadcast %shift_right_arithmetic3A_647 : i32 to vector<16xi32>
      %shift_right_arithmetic3A_649 = arith.shrsi %mul3A_646, %shift_right_arithmetic3A_648 : vector<16xi32>
      %swap3A_650 = arith.constant 48 : index
      %swap3A_651 = tpu.vector_load %arg18[%swap3A_650] {strides = array<i32>} : memref<128xi32, #tpu.memory_space<vmem>>, vector<16xi32>,
      tpu.vector_store %arg18[%swap3A_650], %shift_right_arithmetic3A_649 {strides = array<i32>} : memref<128xi32, #tpu.memory_space<vmem>>, vector<16xi32>,
      %add3A_652 = arith.constant 1 : i32
      %add3A_653 = vector.broadcast %add3A_652 : i32 to vector<16xi32>
      %add3A_654 = arith.addi %shift_right_arithmetic3A_649, %add3A_653 : vector<16xi32>
      %min3A_655 = arith.constant 113749 : i32
      %min3A_656 = vector.broadcast %min3A_655 : i32 to vector<16xi32>
      %min3A_657 = arith.minsi %add3A_654, %min3A_656 : vector<16xi32>
      %swap3A_658 = arith.constant 48 : index
      %swap3A_659 = tpu.vector_load %arg19[%swap3A_658] {strides = array<i32>} : memref<128xi32, #tpu.memory_space<vmem>>, vector<16xi32>,
      tpu.vector_store %arg19[%swap3A_658], %min3A_657 {strides = array<i32>} : memref<128xi32, #tpu.memory_space<vmem>>, vector<16xi32>,
      %add3A_660 = arith.constant 64 : i32
      %add3A_661 = vector.broadcast %add3A_660 : i32 to vector<16xi32>
      %add3A_662 = arith.addi %add3A_661, %iota3A : vector<16xi32>
      %gather3A_663 = tpu.vector_load_idx %arg16[%add3A_662] : memref<128xi32, #tpu.memory_space<vmem>>[vector<16xi32>], vector<16xi32>,
      %mul3A_664 = arith.constant 91 : i32
      %mul3A_665 = vector.broadcast %mul3A_664 : i32 to vector<16xi32>
      %mul3A_666 = arith.muli %gather3A_663, %mul3A_665 : vector<16xi32>
      %shift_right_arithmetic3A_667 = arith.constant 7 : i32
      %shift_right_arithmetic3A_668 = vector.broadcast %shift_right_arithmetic3A_667 : i32 to vector<16xi32>
      %shift_right_arithmetic3A_669 = arith.shrsi %mul3A_666, %shift_right_arithmetic3A_668 : vector<16xi32>
      %swap3A_670 = arith.constant 64 : index
      %swap3A_671 = tpu.vector_load %arg18[%swap3A_670] {strides = array<i32>} : memref<128xi32, #tpu.memory_space<vmem>>, vector<16xi32>,
      tpu.vector_store %arg18[%swap3A_670], %shift_right_arithmetic3A_669 {strides = array<i32>} : memref<128xi32, #tpu.memory_space<vmem>>, vector<16xi32>,
      %add3A_672 = arith.constant 1 : i32
      %add3A_673 = vector.broadcast %add3A_672 : i32 to vector<16xi32>
      %add3A_674 = arith.addi %shift_right_arithmetic3A_669, %add3A_673 : vector<16xi32>
      %min3A_675 = arith.constant 113749 : i32
      %min3A_676 = vector.broadcast %min3A_675 : i32 to vector<16xi32>
      %min3A_677 = arith.minsi %add3A_674, %min3A_676 : vector<16xi32>
      %swap3A_678 = arith.constant 64 : index
      %swap3A_679 = tpu.vector_load %arg19[%swap3A_678] {strides = array<i32>} : memref<128xi32, #tpu.memory_space<vmem>>, vector<16xi32>,
      tpu.vector_store %arg19[%swap3A_678], %min3A_677 {strides = array<i32>} : memref<128xi32, #tpu.memory_space<vmem>>, vector<16xi32>,
      %add3A_680 = arith.constant 80 : i32
      %add3A_681 = vector.broadcast %add3A_680 : i32 to vector<16xi32>
      %add3A_682 = arith.addi %add3A_681, %iota3A : vector<16xi32>
      %gather3A_683 = tpu.vector_load_idx %arg16[%add3A_682] : memref<128xi32, #tpu.memory_space<vmem>>[vector<16xi32>], vector<16xi32>,
      %mul3A_684 = arith.constant 91 : i32
      %mul3A_685 = vector.broadcast %mul3A_684 : i32 to vector<16xi32>
      %mul3A_686 = arith.muli %gather3A_683, %mul3A_685 : vector<16xi32>
      %shift_right_arithmetic3A_687 = arith.constant 7 : i32
      %shift_right_arithmetic3A_688 = vector.broadcast %shift_right_arithmetic3A_687 : i32 to vector<16xi32>
      %shift_right_arithmetic3A_689 = arith.shrsi %mul3A_686, %shift_right_arithmetic3A_688 : vector<16xi32>
      %swap3A_690 = arith.constant 80 : index
      %swap3A_691 = tpu.vector_load %arg18[%swap3A_690] {strides = array<i32>} : memref<128xi32, #tpu.memory_space<vmem>>, vector<16xi32>,
      tpu.vector_store %arg18[%swap3A_690], %shift_right_arithmetic3A_689 {strides = array<i32>} : memref<128xi32, #tpu.memory_space<vmem>>, vector<16xi32>,
      %add3A_692 = arith.constant 1 : i32
      %add3A_693 = vector.broadcast %add3A_692 : i32 to vector<16xi32>
      %add3A_694 = arith.addi %shift_right_arithmetic3A_689, %add3A_693 : vector<16xi32>
      %min3A_695 = arith.constant 113749 : i32
      %min3A_696 = vector.broadcast %min3A_695 : i32 to vector<16xi32>
      %min3A_697 = arith.minsi %add3A_694, %min3A_696 : vector<16xi32>
      %swap3A_698 = arith.constant 80 : index
      %swap3A_699 = tpu.vector_load %arg19[%swap3A_698] {strides = array<i32>} : memref<128xi32, #tpu.memory_space<vmem>>, vector<16xi32>,
      tpu.vector_store %arg19[%swap3A_698], %min3A_697 {strides = array<i32>} : memref<128xi32, #tpu.memory_space<vmem>>, vector<16xi32>,
      %add3A_700 = arith.constant 96 : i32
      %add3A_701 = vector.broadcast %add3A_700 : i32 to vector<16xi32>
      %add3A_702 = arith.addi %add3A_701, %iota3A : vector<16xi32>
      %gather3A_703 = tpu.vector_load_idx %arg16[%add3A_702] : memref<128xi32, #tpu.memory_space<vmem>>[vector<16xi32>], vector<16xi32>,
      %mul3A_704 = arith.constant 91 : i32
      %mul3A_705 = vector.broadcast %mul3A_704 : i32 to vector<16xi32>
      %mul3A_706 = arith.muli %gather3A_703, %mul3A_705 : vector<16xi32>
      %shift_right_arithmetic3A_707 = arith.constant 7 : i32
      %shift_right_arithmetic3A_708 = vector.broadcast %shift_right_arithmetic3A_707 : i32 to vector<16xi32>
      %shift_right_arithmetic3A_709 = arith.shrsi %mul3A_706, %shift_right_arithmetic3A_708 : vector<16xi32>
      %swap3A_710 = arith.constant 96 : index
      %swap3A_711 = tpu.vector_load %arg18[%swap3A_710] {strides = array<i32>} : memref<128xi32, #tpu.memory_space<vmem>>, vector<16xi32>,
      tpu.vector_store %arg18[%swap3A_710], %shift_right_arithmetic3A_709 {strides = array<i32>} : memref<128xi32, #tpu.memory_space<vmem>>, vector<16xi32>,
      %add3A_712 = arith.constant 1 : i32
      %add3A_713 = vector.broadcast %add3A_712 : i32 to vector<16xi32>
      %add3A_714 = arith.addi %shift_right_arithmetic3A_709, %add3A_713 : vector<16xi32>
      %min3A_715 = arith.constant 113749 : i32
      %min3A_716 = vector.broadcast %min3A_715 : i32 to vector<16xi32>
      %min3A_717 = arith.minsi %add3A_714, %min3A_716 : vector<16xi32>
      %swap3A_718 = arith.constant 96 : index
      %swap3A_719 = tpu.vector_load %arg19[%swap3A_718] {strides = array<i32>} : memref<128xi32, #tpu.memory_space<vmem>>, vector<16xi32>,
      tpu.vector_store %arg19[%swap3A_718], %min3A_717 {strides = array<i32>} : memref<128xi32, #tpu.memory_space<vmem>>, vector<16xi32>,
      %add3A_720 = arith.constant 112 : i32
      %add3A_721 = vector.broadcast %add3A_720 : i32 to vector<16xi32>
      %add3A_722 = arith.addi %add3A_721, %iota3A : vector<16xi32>
      %gather3A_723 = tpu.vector_load_idx %arg16[%add3A_722] : memref<128xi32, #tpu.memory_space<vmem>>[vector<16xi32>], vector<16xi32>,
      %mul3A_724 = arith.constant 91 : i32
      %mul3A_725 = vector.broadcast %mul3A_724 : i32 to vector<16xi32>
      %mul3A_726 = arith.muli %gather3A_723, %mul3A_725 : vector<16xi32>
      %shift_right_arithmetic3A_727 = arith.constant 7 : i32
      %shift_right_arithmetic3A_728 = vector.broadcast %shift_right_arithmetic3A_727 : i32 to vector<16xi32>
      %shift_right_arithmetic3A_729 = arith.shrsi %mul3A_726, %shift_right_arithmetic3A_728 : vector<16xi32>
      %swap3A_730 = arith.constant 112 : index
      %swap3A_731 = tpu.vector_load %arg18[%swap3A_730] {strides = array<i32>} : memref<128xi32, #tpu.memory_space<vmem>>, vector<16xi32>,
      tpu.vector_store %arg18[%swap3A_730], %shift_right_arithmetic3A_729 {strides = array<i32>} : memref<128xi32, #tpu.memory_space<vmem>>, vector<16xi32>,
      %add3A_732 = arith.constant 1 : i32
      %add3A_733 = vector.broadcast %add3A_732 : i32 to vector<16xi32>
      %add3A_734 = arith.addi %shift_right_arithmetic3A_729, %add3A_733 : vector<16xi32>
      %min3A_735 = arith.constant 113749 : i32
      %min3A_736 = vector.broadcast %min3A_735 : i32 to vector<16xi32>
      %min3A_737 = arith.minsi %add3A_734, %min3A_736 : vector<16xi32>
      %swap3A_738 = arith.constant 112 : index
      %swap3A_739 = tpu.vector_load %arg19[%swap3A_738] {strides = array<i32>} : memref<128xi32, #tpu.memory_space<vmem>>, vector<16xi32>,
      tpu.vector_store %arg19[%swap3A_738], %min3A_737 {strides = array<i32>} : memref<128xi32, #tpu.memory_space<vmem>>, vector<16xi32>,
      %add3A_740 = arith.constant 0 : i32
      %add3A_741 = vector.broadcast %add3A_740 : i32 to vector<16xi32>
      %add3A_742 = arith.addi %add3A_741, %iota3A : vector<16xi32>
      %gather3A_743 = tpu.vector_load_idx %arg16[%add3A_742] : memref<128xi32, #tpu.memory_space<vmem>>[vector<16xi32>], vector<16xi32>,
      %shift_right_arithmetic3A_744 = arith.constant 4 : i32
      %shift_right_arithmetic3A_745 = vector.broadcast %shift_right_arithmetic3A_744 : i32 to vector<16xi32>
      %shift_right_arithmetic3A_746 = arith.shrsi %gather3A_743, %shift_right_arithmetic3A_745 : vector<16xi32>
      %swap3A_747 = arith.constant 0 : index
      %swap3A_748 = tpu.vector_load %arg20[%swap3A_747] {strides = array<i32>} : memref<128xi32, #tpu.memory_space<vmem>>, vector<16xi32>,
      tpu.vector_store %arg20[%swap3A_747], %shift_right_arithmetic3A_746 {strides = array<i32>} : memref<128xi32, #tpu.memory_space<vmem>>, vector<16xi32>,
      %add3A_749 = arith.constant 16 : i32
      %add3A_750 = vector.broadcast %add3A_749 : i32 to vector<16xi32>
      %add3A_751 = arith.addi %add3A_750, %iota3A : vector<16xi32>
      %gather3A_752 = tpu.vector_load_idx %arg16[%add3A_751] : memref<128xi32, #tpu.memory_space<vmem>>[vector<16xi32>], vector<16xi32>,
      %shift_right_arithmetic3A_753 = arith.constant 4 : i32
      %shift_right_arithmetic3A_754 = vector.broadcast %shift_right_arithmetic3A_753 : i32 to vector<16xi32>
      %shift_right_arithmetic3A_755 = arith.shrsi %gather3A_752, %shift_right_arithmetic3A_754 : vector<16xi32>
      %swap3A_756 = arith.constant 16 : index
      %swap3A_757 = tpu.vector_load %arg20[%swap3A_756] {strides = array<i32>} : memref<128xi32, #tpu.memory_space<vmem>>, vector<16xi32>,
      tpu.vector_store %arg20[%swap3A_756], %shift_right_arithmetic3A_755 {strides = array<i32>} : memref<128xi32, #tpu.memory_space<vmem>>, vector<16xi32>,
      %add3A_758 = arith.constant 32 : i32
      %add3A_759 = vector.broadcast %add3A_758 : i32 to vector<16xi32>
      %add3A_760 = arith.addi %add3A_759, %iota3A : vector<16xi32>
      %gather3A_761 = tpu.vector_load_idx %arg16[%add3A_760] : memref<128xi32, #tpu.memory_space<vmem>>[vector<16xi32>], vector<16xi32>,
      %shift_right_arithmetic3A_762 = arith.constant 4 : i32
      %shift_right_arithmetic3A_763 = vector.broadcast %shift_right_arithmetic3A_762 : i32 to vector<16xi32>
      %shift_right_arithmetic3A_764 = arith.shrsi %gather3A_761, %shift_right_arithmetic3A_763 : vector<16xi32>
      %swap3A_765 = arith.constant 32 : index
      %swap3A_766 = tpu.vector_load %arg20[%swap3A_765] {strides = array<i32>} : memref<128xi32, #tpu.memory_space<vmem>>, vector<16xi32>,
      tpu.vector_store %arg20[%swap3A_765], %shift_right_arithmetic3A_764 {strides = array<i32>} : memref<128xi32, #tpu.memory_space<vmem>>, vector<16xi32>,
      %add3A_767 = arith.constant 48 : i32
      %add3A_768 = vector.broadcast %add3A_767 : i32 to vector<16xi32>
      %add3A_769 = arith.addi %add3A_768, %iota3A : vector<16xi32>
      %gather3A_770 = tpu.vector_load_idx %arg16[%add3A_769] : memref<128xi32, #tpu.memory_space<vmem>>[vector<16xi32>], vector<16xi32>,
      %shift_right_arithmetic3A_771 = arith.constant 4 : i32
      %shift_right_arithmetic3A_772 = vector.broadcast %shift_right_arithmetic3A_771 : i32 to vector<16xi32>
      %shift_right_arithmetic3A_773 = arith.shrsi %gather3A_770, %shift_right_arithmetic3A_772 : vector<16xi32>
      %swap3A_774 = arith.constant 48 : index
      %swap3A_775 = tpu.vector_load %arg20[%swap3A_774] {strides = array<i32>} : memref<128xi32, #tpu.memory_space<vmem>>, vector<16xi32>,
      tpu.vector_store %arg20[%swap3A_774], %shift_right_arithmetic3A_773 {strides = array<i32>} : memref<128xi32, #tpu.memory_space<vmem>>, vector<16xi32>,
      %add3A_776 = arith.constant 64 : i32
      %add3A_777 = vector.broadcast %add3A_776 : i32 to vector<16xi32>
      %add3A_778 = arith.addi %add3A_777, %iota3A : vector<16xi32>
      %gather3A_779 = tpu.vector_load_idx %arg16[%add3A_778] : memref<128xi32, #tpu.memory_space<vmem>>[vector<16xi32>], vector<16xi32>,
      %shift_right_arithmetic3A_780 = arith.constant 4 : i32
      %shift_right_arithmetic3A_781 = vector.broadcast %shift_right_arithmetic3A_780 : i32 to vector<16xi32>
      %shift_right_arithmetic3A_782 = arith.shrsi %gather3A_779, %shift_right_arithmetic3A_781 : vector<16xi32>
      %swap3A_783 = arith.constant 64 : index
      %swap3A_784 = tpu.vector_load %arg20[%swap3A_783] {strides = array<i32>} : memref<128xi32, #tpu.memory_space<vmem>>, vector<16xi32>,
      tpu.vector_store %arg20[%swap3A_783], %shift_right_arithmetic3A_782 {strides = array<i32>} : memref<128xi32, #tpu.memory_space<vmem>>, vector<16xi32>,
      %add3A_785 = arith.constant 80 : i32
      %add3A_786 = vector.broadcast %add3A_785 : i32 to vector<16xi32>
      %add3A_787 = arith.addi %add3A_786, %iota3A : vector<16xi32>
      %gather3A_788 = tpu.vector_load_idx %arg16[%add3A_787] : memref<128xi32, #tpu.memory_space<vmem>>[vector<16xi32>], vector<16xi32>,
      %shift_right_arithmetic3A_789 = arith.constant 4 : i32
      %shift_right_arithmetic3A_790 = vector.broadcast %shift_right_arithmetic3A_789 : i32 to vector<16xi32>
      %shift_right_arithmetic3A_791 = arith.shrsi %gather3A_788, %shift_right_arithmetic3A_790 : vector<16xi32>
      %swap3A_792 = arith.constant 80 : index
      %swap3A_793 = tpu.vector_load %arg20[%swap3A_792] {strides = array<i32>} : memref<128xi32, #tpu.memory_space<vmem>>, vector<16xi32>,
      tpu.vector_store %arg20[%swap3A_792], %shift_right_arithmetic3A_791 {strides = array<i32>} : memref<128xi32, #tpu.memory_space<vmem>>, vector<16xi32>,
      %add3A_794 = arith.constant 96 : i32
      %add3A_795 = vector.broadcast %add3A_794 : i32 to vector<16xi32>
      %add3A_796 = arith.addi %add3A_795, %iota3A : vector<16xi32>
      %gather3A_797 = tpu.vector_load_idx %arg16[%add3A_796] : memref<128xi32, #tpu.memory_space<vmem>>[vector<16xi32>], vector<16xi32>,
      %shift_right_arithmetic3A_798 = arith.constant 4 : i32
      %shift_right_arithmetic3A_799 = vector.broadcast %shift_right_arithmetic3A_798 : i32 to vector<16xi32>
      %shift_right_arithmetic3A_800 = arith.shrsi %gather3A_797, %shift_right_arithmetic3A_799 : vector<16xi32>
      %swap3A_801 = arith.constant 96 : index
      %swap3A_802 = tpu.vector_load %arg20[%swap3A_801] {strides = array<i32>} : memref<128xi32, #tpu.memory_space<vmem>>, vector<16xi32>,
      tpu.vector_store %arg20[%swap3A_801], %shift_right_arithmetic3A_800 {strides = array<i32>} : memref<128xi32, #tpu.memory_space<vmem>>, vector<16xi32>,
      %add3A_803 = arith.constant 112 : i32
      %add3A_804 = vector.broadcast %add3A_803 : i32 to vector<16xi32>
      %add3A_805 = arith.addi %add3A_804, %iota3A : vector<16xi32>
      %gather3A_806 = tpu.vector_load_idx %arg16[%add3A_805] : memref<128xi32, #tpu.memory_space<vmem>>[vector<16xi32>], vector<16xi32>,
      %shift_right_arithmetic3A_807 = arith.constant 4 : i32
      %shift_right_arithmetic3A_808 = vector.broadcast %shift_right_arithmetic3A_807 : i32 to vector<16xi32>
      %shift_right_arithmetic3A_809 = arith.shrsi %gather3A_806, %shift_right_arithmetic3A_808 : vector<16xi32>
      %swap3A_810 = arith.constant 112 : index
      %swap3A_811 = tpu.vector_load %arg20[%swap3A_810] {strides = array<i32>} : memref<128xi32, #tpu.memory_space<vmem>>, vector<16xi32>,
      tpu.vector_store %arg20[%swap3A_810], %shift_right_arithmetic3A_809 {strides = array<i32>} : memref<128xi32, #tpu.memory_space<vmem>>, vector<16xi32>,
      %dma_start3A = arith.constant 0 : i32
      %dma_start3A_812 = arith.constant 0 : i32
      %dma_start3A_813 = tpu.memref_slice %arg21[%dma_start3A, %dma_start3A_812] : memref<256x128xf32, #tpu.memory_space<vmem>> -> memref<128x128xf32, #tpu.memory_space<vmem>>
      %dma_start3A_814 = arith.constant 0 : i32
      %dma_start3A_815 = arith.constant 0 : i32
      %dma_start3A_816 = tpu.memref_slice %arg4[%dma_start3A_814, %dma_start3A_815] : memref<113750x128xf32, #tpu.memory_space<hbm>> -> memref<113750x128xf32, #tpu.memory_space<hbm>>
      tpu.enqueue_indirect_dma source(%dma_start3A_816 : memref<113750x128xf32, #tpu.memory_space<hbm>>) target(%dma_start3A_813 : memref<128x128xf32, #tpu.memory_space<vmem>>) offsets(%arg18 : memref<128xi32, #tpu.memory_space<vmem>>) semaphore(%arg25 : memref<!tpu.dma_semaphore, #tpu.memory_space<semaphore_mem>>)
      %dma_wait3A = arith.constant 0 : i32
      %dma_wait3A_817 = arith.constant 0 : i32
      %dma_wait3A_818 = tpu.memref_slice %arg21[%dma_wait3A, %dma_wait3A_817] : memref<256x128xf32, #tpu.memory_space<vmem>> -> memref<128x128xf32, #tpu.memory_space<vmem>>
      %dma_wait3A_819 = arith.constant 0 : i32
      %dma_wait3A_820 = arith.constant 0 : i32
      %dma_wait3A_821 = tpu.memref_slice %arg4[%dma_wait3A_819, %dma_wait3A_820] : memref<113750x128xf32, #tpu.memory_space<hbm>> -> memref<113750x128xf32, #tpu.memory_space<hbm>>
      tpu.wait_indirect_dma semaphore(%arg25 : memref<!tpu.dma_semaphore, #tpu.memory_space<semaphore_mem>>) src(%dma_wait3A_821 : memref<113750x128xf32, #tpu.memory_space<hbm>>) dst(%dma_wait3A_818 : memref<128x128xf32, #tpu.memory_space<vmem>>)
      %dma_start3A_822 = arith.constant 128 : i32
      %dma_start3A_823 = arith.constant 0 : i32
      %dma_start3A_824 = tpu.memref_slice %arg21[%dma_start3A_822, %dma_start3A_823] : memref<256x128xf32, #tpu.memory_space<vmem>> -> memref<128x128xf32, #tpu.memory_space<vmem>>
      %dma_start3A_825 = arith.constant 0 : i32
      %dma_start3A_826 = arith.constant 0 : i32
      %dma_start3A_827 = tpu.memref_slice %arg4[%dma_start3A_825, %dma_start3A_826] : memref<113750x128xf32, #tpu.memory_space<hbm>> -> memref<113750x128xf32, #tpu.memory_space<hbm>>
      tpu.enqueue_indirect_dma source(%dma_start3A_827 : memref<113750x128xf32, #tpu.memory_space<hbm>>) target(%dma_start3A_824 : memref<128x128xf32, #tpu.memory_space<vmem>>) offsets(%arg19 : memref<128xi32, #tpu.memory_space<vmem>>) semaphore(%arg25 : memref<!tpu.dma_semaphore, #tpu.memory_space<semaphore_mem>>)
      %dma_wait3A_828 = arith.constant 128 : i32
      %dma_wait3A_829 = arith.constant 0 : i32
      %dma_wait3A_830 = tpu.memref_slice %arg21[%dma_wait3A_828, %dma_wait3A_829] : memref<256x128xf32, #tpu.memory_space<vmem>> -> memref<128x128xf32, #tpu.memory_space<vmem>>
      %dma_wait3A_831 = arith.constant 0 : i32
      %dma_wait3A_832 = arith.constant 0 : i32
      %dma_wait3A_833 = tpu.memref_slice %arg4[%dma_wait3A_831, %dma_wait3A_832] : memref<113750x128xf32, #tpu.memory_space<hbm>> -> memref<113750x128xf32, #tpu.memory_space<hbm>>
      tpu.wait_indirect_dma semaphore(%arg25 : memref<!tpu.dma_semaphore, #tpu.memory_space<semaphore_mem>>) src(%dma_wait3A_833 : memref<113750x128xf32, #tpu.memory_space<hbm>>) dst(%dma_wait3A_830 : memref<128x128xf32, #tpu.memory_space<vmem>>)
      %dma_start3A_834 = arith.constant 0 : i32
      %dma_start3A_835 = arith.constant 0 : i32
      %dma_start3A_836 = tpu.memref_slice %arg5[%dma_start3A_834, %dma_start3A_835] : memref<10000x128xf32, #tpu.memory_space<hbm>> -> memref<10000x128xf32, #tpu.memory_space<hbm>>
      tpu.enqueue_indirect_dma source(%dma_start3A_836 : memref<10000x128xf32, #tpu.memory_space<hbm>>) target(%arg22 : memref<128x128xf32, #tpu.memory_space<vmem>>) offsets(%arg20 : memref<128xi32, #tpu.memory_space<vmem>>) semaphore(%arg25 : memref<!tpu.dma_semaphore, #tpu.memory_space<semaphore_mem>>)
      %dma_wait3A_837 = arith.constant 0 : i32
      %dma_wait3A_838 = arith.constant 0 : i32
      %dma_wait3A_839 = tpu.memref_slice %arg5[%dma_wait3A_837, %dma_wait3A_838] : memref<10000x128xf32, #tpu.memory_space<hbm>> -> memref<10000x128xf32, #tpu.memory_space<hbm>>
      tpu.wait_indirect_dma semaphore(%arg25 : memref<!tpu.dma_semaphore, #tpu.memory_space<semaphore_mem>>) src(%dma_wait3A_839 : memref<10000x128xf32, #tpu.memory_space<hbm>>) dst(%arg22 : memref<128x128xf32, #tpu.memory_space<vmem>>)
      %scan3A_840 = arith.constant 0 : i32
      %scan3A_841 = arith.constant 0 : i32
      %scan3A_842 = arith.constant 768 : i32
      %scan3A_843 = arith.addi %scan3A_841, %scan3A_842 : i32
      %scan3A_844 = arith.constant 1 : i32
      %scan3A_845 = scf.for %scan3A_869 = %scan3A_841 to %scan3A_843 step %scan3A_844 iter_args(%scan3A_870 = %scan3A_840) -> (i32)  : i32 {
        %mul3A_871 = arith.constant 16 : i32
        %mul3A_872 = arith.muli %scan3A_869, %mul3A_871 : i32
        %add3A_873 = vector.broadcast %mul3A_872 : i32 to vector<16xi32>
        %add3A_874 = arith.addi %add3A_873, %iota3A : vector<16xi32>
        %jit3A_875 = arith.constant 96 : i32
        %div3A_876 = vector.broadcast %jit3A_875 : i32 to vector<16xi32>
        %div3A_877 = arith.divsi %add3A_874, %div3A_876 : vector<16xi32>
        %sign3A_878 = arith.constant 0 : i32
        %sign3A_879 = vector.broadcast %sign3A_878 : i32 to vector<16xi32>
        %sign3A_880 = arith.cmpi sgt, %add3A_874, %sign3A_879 : vector<16xi32>
        %sign3A_881 = arith.extui %sign3A_880 : vector<16xi1> to vector<16xi32>
        %sign3A_882 = arith.constant 0 : i32
        %sign3A_883 = vector.broadcast %sign3A_882 : i32 to vector<16xi32>
        %sign3A_884 = arith.cmpi slt, %add3A_874, %sign3A_883 : vector<16xi32>
        %sign3A_885 = arith.extui %sign3A_884 : vector<16xi1> to vector<16xi32>
        %sign3A_886 = arith.subi %sign3A_881, %sign3A_885 : vector<16xi32>
        %sign3A_887 = arith.constant 0 : i32
        %sign3A_888 = arith.cmpi sgt, %jit3A_875, %sign3A_887 : i32
        %sign3A_889 = arith.extui %sign3A_888 : i1 to i32
        %sign3A_890 = arith.constant 0 : i32
        %sign3A_891 = arith.cmpi slt, %jit3A_875, %sign3A_890 : i32
        %sign3A_892 = arith.extui %sign3A_891 : i1 to i32
        %sign3A_893 = arith.subi %sign3A_889, %sign3A_892 : i32
        %ne3A_894 = vector.broadcast %sign3A_893 : i32 to vector<16xi32>
        %ne3A_895 = arith.cmpi ne, %sign3A_886, %ne3A_894 : vector<16xi32>
        %rem3A_896 = vector.broadcast %jit3A_875 : i32 to vector<16xi32>
        %rem3A_897 = arith.remsi %add3A_874, %rem3A_896 : vector<16xi32>
        %ne3A_898 = arith.constant 0 : i32
        %ne3A_899 = vector.broadcast %ne3A_898 : i32 to vector<16xi32>
        %ne3A_900 = arith.cmpi ne, %rem3A_897, %ne3A_899 : vector<16xi32>
        %and3A_901 = arith.andi %ne3A_895, %ne3A_900 : vector<16xi1>
        %sub3A_902 = arith.constant 1 : i32
        %sub3A_903 = vector.broadcast %sub3A_902 : i32 to vector<16xi32>
        %sub3A_904 = arith.subi %div3A_877, %sub3A_903 : vector<16xi32>
        %select_n3A_905 = arith.select %and3A_901, %sub3A_904, %div3A_877 : vector<16xi1>, vector<16xi32>
        %jit3A_906 = arith.constant 96 : i32
        %eq3A_907 = arith.constant 0 : i32
        %eq3A_908 = arith.cmpi eq, %jit3A_906, %eq3A_907 : i32
        %jit3A_909 = arith.constant 1 : i32
        %select_n3A_910 = arith.select %eq3A_908, %jit3A_909, %jit3A_906 : i32
        %rem3A_911 = vector.broadcast %select_n3A_910 : i32 to vector<16xi32>
        %rem3A_912 = arith.remsi %add3A_874, %rem3A_911 : vector<16xi32>
        %ne3A_913 = arith.constant 0 : i32
        %ne3A_914 = vector.broadcast %ne3A_913 : i32 to vector<16xi32>
        %ne3A_915 = arith.cmpi ne, %rem3A_912, %ne3A_914 : vector<16xi32>
        %lt3A_916 = arith.constant 0 : i32
        %lt3A_917 = vector.broadcast %lt3A_916 : i32 to vector<16xi32>
        %lt3A_918 = arith.cmpi slt, %rem3A_912, %lt3A_917 : vector<16xi32>
        %lt3A_919 = arith.constant 0 : i32
        %lt3A_920 = arith.cmpi slt, %select_n3A_910, %lt3A_919 : i32
        %ne3A_921 = vector.broadcast %lt3A_920 : i1 to vector<16xi1>
        %ne3A_922 = vector.broadcast %ne3A_921 : vector<16xi1> to vector<16xi1>
        %ne3A_923 = arith.xori %lt3A_918, %ne3A_922 : vector<16xi1>
        %and3A_924 = arith.andi %ne3A_923, %ne3A_915 : vector<16xi1>
        %add3A_925 = vector.broadcast %select_n3A_910 : i32 to vector<16xi32>
        %add3A_926 = arith.addi %rem3A_912, %add3A_925 : vector<16xi32>
        %select_n3A_927 = arith.select %and3A_924, %add3A_926, %rem3A_912 : vector<16xi1>, vector<16xi32>
        %gather3A_928 = tpu.vector_load_idx %arg16[%select_n3A_905] : memref<128xi32, #tpu.memory_space<vmem>>[vector<16xi32>], vector<16xi32>,
        %mul3A_929 = arith.constant 91 : i32
        %mul3A_930 = vector.broadcast %mul3A_929 : i32 to vector<16xi32>
        %mul3A_931 = arith.muli %gather3A_928, %mul3A_930 : vector<16xi32>
        %and3A_932 = arith.constant 127 : i32
        %and3A_933 = vector.broadcast %and3A_932 : i32 to vector<16xi32>
        %and3A_934 = arith.andi %mul3A_931, %and3A_933 : vector<16xi32>
        %add3A_935 = arith.addi %and3A_934, %select_n3A_927 : vector<16xi32>
        %shift_right_arithmetic3A_936 = arith.constant 7 : i32
        %shift_right_arithmetic3A_937 = vector.broadcast %shift_right_arithmetic3A_936 : i32 to vector<16xi32>
        %shift_right_arithmetic3A_938 = arith.shrsi %add3A_935, %shift_right_arithmetic3A_937 : vector<16xi32>
        %mul3A_939 = arith.constant 128 : i32
        %mul3A_940 = vector.broadcast %mul3A_939 : i32 to vector<16xi32>
        %mul3A_941 = arith.muli %mul3A_940, %shift_right_arithmetic3A_938 : vector<16xi32>
        %add3A_942 = arith.addi %select_n3A_905, %mul3A_941 : vector<16xi32>
        %and3A_943 = arith.constant 127 : i32
        %and3A_944 = vector.broadcast %and3A_943 : i32 to vector<16xi32>
        %and3A_945 = arith.andi %add3A_935, %and3A_944 : vector<16xi32>
        %gather3A_946 = tpu.vector_load_idx %arg21[%add3A_942, %and3A_945] : memref<256x128xf32, #tpu.memory_space<vmem>>[vector<16xi32>, vector<16xi32>], vector<16xf32>,
        %mul3A_947 = arith.constant 16 : i32
        %mul3A_948 = arith.muli %scan3A_869, %mul3A_947 : i32
        %swap3A_949 = arith.index_cast %mul3A_948 : i32 to index
        %swap3A_950 = tpu.vector_load %arg23[%swap3A_949] {strides = array<i32>} : memref<12288xf32, #tpu.memory_space<vmem>>, vector<16xf32>,
        tpu.vector_store %arg23[%swap3A_949], %gather3A_946 {strides = array<i32>} : memref<12288xf32, #tpu.memory_space<vmem>>, vector<16xf32>,
        %scan3A_951 = arith.constant 0 : i32
        scf.yield %scan3A_951 : i32
      }
      %scan3A_846 = arith.constant 768 : i32
      %scan3A_847 = arith.constant 0 : i32
      %scan3A_848 = arith.constant 0 : i32
      %scan3A_849 = arith.constant 64 : i32
      %scan3A_850 = arith.addi %scan3A_848, %scan3A_849 : i32
      %scan3A_851 = arith.constant 1 : i32
      %scan3A_852 = scf.for %scan3A_869 = %scan3A_848 to %scan3A_850 step %scan3A_851 iter_args(%scan3A_870 = %scan3A_847) -> (i32)  : i32 {
        %mul3A_871 = arith.constant 16 : i32
        %mul3A_872 = arith.muli %scan3A_869, %mul3A_871 : i32
        %add3A_873 = vector.broadcast %mul3A_872 : i32 to vector<16xi32>
        %add3A_874 = arith.addi %add3A_873, %iota3A : vector<16xi32>
        %shift_right_arithmetic3A_875 = arith.constant 3 : i32
        %shift_right_arithmetic3A_876 = vector.broadcast %shift_right_arithmetic3A_875 : i32 to vector<16xi32>
        %shift_right_arithmetic3A_877 = arith.shrsi %add3A_874, %shift_right_arithmetic3A_876 : vector<16xi32>
        %and3A_878 = arith.constant 7 : i32
        %and3A_879 = vector.broadcast %and3A_878 : i32 to vector<16xi32>
        %and3A_880 = arith.andi %add3A_874, %and3A_879 : vector<16xi32>
        %gather3A_881 = tpu.vector_load_idx %arg16[%shift_right_arithmetic3A_877] : memref<128xi32, #tpu.memory_space<vmem>>[vector<16xi32>], vector<16xi32>,
        %and3A_882 = arith.constant 15 : i32
        %and3A_883 = vector.broadcast %and3A_882 : i32 to vector<16xi32>
        %and3A_884 = arith.andi %gather3A_881, %and3A_883 : vector<16xi32>
        %mul3A_885 = arith.constant 8 : i32
        %mul3A_886 = vector.broadcast %mul3A_885 : i32 to vector<16xi32>
        %mul3A_887 = arith.muli %and3A_884, %mul3A_886 : vector<16xi32>
        %add3A_888 = arith.addi %mul3A_887, %and3A_880 : vector<16xi32>
        %gather3A_889 = tpu.vector_load_idx %arg22[%shift_right_arithmetic3A_877, %add3A_888] : memref<128x128xf32, #tpu.memory_space<vmem>>[vector<16xi32>, vector<16xi32>], vector<16xf32>,
        %mul3A_890 = arith.constant 16 : i32
        %mul3A_891 = arith.muli %scan3A_869, %mul3A_890 : i32
        %swap3A_892 = arith.index_cast %mul3A_891 : i32 to index
        %swap3A_893 = tpu.vector_load %arg24[%swap3A_892] {strides = array<i32>} : memref<1024xf32, #tpu.memory_space<vmem>>, vector<16xf32>,
        tpu.vector_store %arg24[%swap3A_892], %gather3A_889 {strides = array<i32>} : memref<1024xf32, #tpu.memory_space<vmem>>, vector<16xf32>,
        %scan3A_894 = arith.constant 0 : i32
        scf.yield %scan3A_894 : i32
      }
      %scan3A_853 = arith.constant 64 : i32
      %mul3A_854 = arith.constant 128 : i32
      %mul3A_855 = arith.muli %select_n3A, %mul3A_854 : i32
      %mul3A_856 = arith.constant 96 : i32
      %mul3A_857 = arith.muli %mul3A_855, %mul3A_856 : i32
      "tpu.region"() ({
        %run_scoped3A = tpu.sem_alloc : memref<!tpu.dma_semaphore, #tpu.memory_space<semaphore_mem>>
        %dma_start3A_869 = tpu.memref_slice %arg6[%mul3A_857] : memref<98304xf32, #tpu.memory_space<hbm>> -> memref<12288xf32, #tpu.memory_space<hbm>>
        %dma_start3A_870 = tpu.memref_slice %arg6[%mul3A_857] : memref<98304xf32, #tpu.memory_space<hbm>> -> memref<12288xf32, #tpu.memory_space<hbm>>
        tpu.enqueue_dma source(%arg23 : memref<12288xf32, #tpu.memory_space<vmem>>) target(%dma_start3A_870 : memref<12288xf32, #tpu.memory_space<hbm>>) target_semaphore(%run_scoped3A : memref<!tpu.dma_semaphore, #tpu.memory_space<semaphore_mem>>)
        %dma_wait3A_871 = tpu.memref_slice %arg6[%mul3A_857] : memref<98304xf32, #tpu.memory_space<hbm>> -> memref<12288xf32, #tpu.memory_space<hbm>>
        %dma_wait3A_872 = tpu.memref_slice %arg6[%mul3A_857] : memref<98304xf32, #tpu.memory_space<hbm>> -> memref<12288xf32, #tpu.memory_space<hbm>>
        tpu.wait_dma2 semaphore(%run_scoped3A : memref<!tpu.dma_semaphore, #tpu.memory_space<semaphore_mem>>) src(%arg23 : memref<12288xf32, #tpu.memory_space<vmem>>) dst(%dma_wait3A_872 : memref<12288xf32, #tpu.memory_space<hbm>>)
        tpu.yield
      }) : () -> ()
      %mul3A_858 = arith.constant 128 : i32
      %mul3A_859 = arith.muli %select_n3A, %mul3A_858 : i32
      %mul3A_860 = arith.constant 8 : i32
      %mul3A_861 = arith.muli %mul3A_859, %mul3A_860 : i32
      "tpu.region"() ({
        %run_scoped3A = tpu.sem_alloc : memref<!tpu.dma_semaphore, #tpu.memory_space<semaphore_mem>>
        %dma_start3A_869 = tpu.memref_slice %arg7[%mul3A_861] : memref<8192xf32, #tpu.memory_space<hbm>> -> memref<1024xf32, #tpu.memory_space<hbm>>
        %dma_start3A_870 = tpu.memref_slice %arg7[%mul3A_861] : memref<8192xf32, #tpu.memory_space<hbm>> -> memref<1024xf32, #tpu.memory_space<hbm>>
        tpu.enqueue_dma source(%arg24 : memref<1024xf32, #tpu.memory_space<vmem>>) target(%dma_start3A_870 : memref<1024xf32, #tpu.memory_space<hbm>>) target_semaphore(%run_scoped3A : memref<!tpu.dma_semaphore, #tpu.memory_space<semaphore_mem>>)
        %dma_wait3A_871 = tpu.memref_slice %arg7[%mul3A_861] : memref<8192xf32, #tpu.memory_space<hbm>> -> memref<1024xf32, #tpu.memory_space<hbm>>
        %dma_wait3A_872 = tpu.memref_slice %arg7[%mul3A_861] : memref<8192xf32, #tpu.memory_space<hbm>> -> memref<1024xf32, #tpu.memory_space<hbm>>
        tpu.wait_dma2 semaphore(%run_scoped3A : memref<!tpu.dma_semaphore, #tpu.memory_space<semaphore_mem>>) src(%arg24 : memref<1024xf32, #tpu.memory_space<vmem>>) dst(%dma_wait3A_872 : memref<1024xf32, #tpu.memory_space<hbm>>)
        tpu.yield
      }) : () -> ()
      %min3A_862 = arith.constant 128 : i32
      %min3A_863 = vector.broadcast %min3A_862 : i32 to vector<16xi32>
      %min3A_864 = arith.minsi %add3A_64, %min3A_863 : vector<16xi32>
      %swap3A_865 = arith.constant 0 : index
      %swap3A_866 = tpu.vector_load %arg17[%swap3A_865] {strides = array<i32>} : memref<16xi32, #tpu.memory_space<vmem>>, vector<16xi32>,
      tpu.vector_store %arg17[%swap3A_865], %min3A_864 {strides = array<i32>} : memref<16xi32, #tpu.memory_space<vmem>>, vector<16xi32>,
      %mul3A_867 = arith.constant 16 : i32
      %mul3A_868 = arith.muli %select_n3A, %mul3A_867 : i32
      "tpu.region"() ({
        %run_scoped3A = tpu.sem_alloc : memref<!tpu.dma_semaphore, #tpu.memory_space<semaphore_mem>>
        %dma_start3A_869 = tpu.memref_slice %arg8[%mul3A_868] : memref<128xi32, #tpu.memory_space<hbm>> -> memref<16xi32, #tpu.memory_space<hbm>>
        %dma_start3A_870 = tpu.memref_slice %arg8[%mul3A_868] : memref<128xi32, #tpu.memory_space<hbm>> -> memref<16xi32, #tpu.memory_space<hbm>>
        tpu.enqueue_dma source(%arg17 : memref<16xi32, #tpu.memory_space<vmem>>) target(%dma_start3A_870 : memref<16xi32, #tpu.memory_space<hbm>>) target_semaphore(%run_scoped3A : memref<!tpu.dma_semaphore, #tpu.memory_space<semaphore_mem>>)
        %dma_wait3A_871 = tpu.memref_slice %arg8[%mul3A_868] : memref<128xi32, #tpu.memory_space<hbm>> -> memref<16xi32, #tpu.memory_space<hbm>>
        %dma_wait3A_872 = tpu.memref_slice %arg8[%mul3A_868] : memref<128xi32, #tpu.memory_space<hbm>> -> memref<16xi32, #tpu.memory_space<hbm>>
        tpu.wait_dma2 semaphore(%run_scoped3A : memref<!tpu.dma_semaphore, #tpu.memory_space<semaphore_mem>>) src(%arg17 : memref<16xi32, #tpu.memory_space<vmem>>) dst(%dma_wait3A_872 : memref<16xi32, #tpu.memory_space<hbm>>)
        tpu.yield
      }) : () -> ()
    } else {
    }
    return
  }
}

module attributes {stable_mosaic.version = 14 : i64} {
  func.func @_row_max_kernel(%arg0: i32, %arg1: memref<1x25x128x91xf32, #tpu.memory_space<vmem>>, %arg2: memref<1x25x128xf32, #tpu.memory_space<vmem>>, %arg3: memref<1x25x128xf32, #tpu.memory_space<vmem>>, %arg4: memref<1x25x128xf32, #tpu.memory_space<vmem>>) attributes {dimension_semantics = [#tpu.dimension_semantics<arbitrary>], iteration_bounds = array<i64: 50>, scalar_prefetch = 0 : i64, scratch_operands = 0 : i64, tpu.core_type = #tpu.core_type<tc>, window_params = [{transform_indices = @transform_0, window_bounds = array<i64: 1, 25, 128, 91>}, {transform_indices = @transform_1, window_bounds = array<i64: 1, 25, 128>}, {transform_indices = @transform_2, window_bounds = array<i64: 1, 25, 128>}, {transform_indices = @transform_3, window_bounds = array<i64: 1, 25, 128>}]} {
    %get3A = arith.constant 0 : index
    %get3A_0 = arith.constant 0 : index
    %get3A_1 = arith.constant 0 : index
    %get3A_2 = arith.constant 0 : index
    %get3A_3 = vector.load %arg1[%get3A, %get3A_0, %get3A_1, %get3A_2] : memref<1x25x128x91xf32, #tpu.memory_space<vmem>>, vector<1x25x128x91xf32>
    %iota3A = tpu.iota {dimensions = array<i32: 3>} : vector<1x25x128x91xi32>
    %lt3A = arith.constant 81 : i32
    %lt3A_4 = vector.broadcast %lt3A : i32 to vector<1x25x128x91xi32>
    %lt3A_5 = arith.cmpi slt, %iota3A, %lt3A_4 : vector<1x25x128x91xi32>
    %jit3A = arith.constant -1.000000e+30 : f32
    %broadcast_in_dim3A = vector.broadcast %jit3A : f32 to vector<1x25x128x91xf32>
    %select_n3A = arith.select %lt3A_5, %get3A_3, %broadcast_in_dim3A : vector<1x25x128x91xi1>, vector<1x25x128x91xf32>
    %reduce_max3A = arith.constant dense<0xFF800000> : vector<1x25x128xf32>
    %reduce_max3A_6 = vector.multi_reduction <maximumf>, %select_n3A, %reduce_max3A [3] : vector<1x25x128x91xf32> to vector<1x25x128xf32>
    %get3A_7 = arith.constant 0 : index
    %get3A_8 = arith.constant 0 : index
    %get3A_9 = arith.constant 0 : index
    %get3A_10 = vector.load %arg2[%get3A_7, %get3A_8, %get3A_9] : memref<1x25x128xf32, #tpu.memory_space<vmem>>, vector<1x25x128xf32>
    %mul3A = arith.constant -1.300000e+00 : f32
    %mul3A_11 = vector.broadcast %mul3A : f32 to vector<1x25x128xf32>
    %mul3A_12 = arith.mulf %mul3A_11, %get3A_10 : vector<1x25x128xf32>
    %exp3A = math.exp %mul3A_12 : vector<1x25x128xf32>
    %get3A_13 = arith.constant 0 : index
    %get3A_14 = arith.constant 0 : index
    %get3A_15 = arith.constant 0 : index
    %get3A_16 = vector.load %arg3[%get3A_13, %get3A_14, %get3A_15] : memref<1x25x128xf32, #tpu.memory_space<vmem>>, vector<1x25x128xf32>
    %logistic3A = arith.negf %get3A_16 : vector<1x25x128xf32>
    %logistic3A_17 = math.exp %logistic3A : vector<1x25x128xf32>
    %logistic3A_18 = arith.constant 1.000000e+00 : f32
    %logistic3A_19 = vector.broadcast %logistic3A_18 : f32 to vector<1x25x128xf32>
    %logistic3A_20 = arith.addf %logistic3A_19, %logistic3A_17 : vector<1x25x128xf32>
    %logistic3A_21 = arith.divf %logistic3A_19, %logistic3A_20 : vector<1x25x128xf32>
    %logistic3A_22 = arith.negf %reduce_max3A_6 : vector<1x25x128xf32>
    %logistic3A_23 = math.exp %logistic3A_22 : vector<1x25x128xf32>
    %logistic3A_24 = arith.constant 1.000000e+00 : f32
    %logistic3A_25 = vector.broadcast %logistic3A_24 : f32 to vector<1x25x128xf32>
    %logistic3A_26 = arith.addf %logistic3A_25, %logistic3A_23 : vector<1x25x128xf32>
    %logistic3A_27 = arith.divf %logistic3A_25, %logistic3A_26 : vector<1x25x128xf32>
    %gt3A = arith.constant 2.000000e-01 : f32
    %gt3A_28 = vector.broadcast %gt3A : f32 to vector<1x25x128xf32>
    %gt3A_29 = arith.cmpf ogt, %logistic3A_27, %gt3A_28 : vector<1x25x128xf32>
    %jit3A_30 = arith.constant 0.000000e+00 : f32
    %broadcast_in_dim3A_31 = vector.broadcast %jit3A_30 : f32 to vector<1x25x128xf32>
    %select_n3A_32 = arith.select %gt3A_29, %logistic3A_27, %broadcast_in_dim3A_31 : vector<1x25x128xi1>, vector<1x25x128xf32>
    %mul3A_33 = arith.constant 1.500000e+00 : f32
    %mul3A_34 = vector.broadcast %mul3A_33 : f32 to vector<1x25x128xf32>
    %mul3A_35 = arith.mulf %mul3A_34, %logistic3A_21 : vector<1x25x128xf32>
    %sub3A = arith.constant 1.000000e+00 : f32
    %sub3A_36 = vector.broadcast %sub3A : f32 to vector<1x25x128xf32>
    %sub3A_37 = arith.subf %sub3A_36, %mul3A_35 : vector<1x25x128xf32>
    %gt3A_38 = arith.cmpf ogt, %logistic3A_21, %select_n3A_32 : vector<1x25x128xf32>
    %lt3A_39 = arith.constant 0.000000e+00 : f32
    %lt3A_40 = vector.broadcast %lt3A_39 : f32 to vector<1x25x128xf32>
    %lt3A_41 = arith.cmpf olt, %sub3A_37, %lt3A_40 : vector<1x25x128xf32>
    %or3A = arith.ori %gt3A_38, %lt3A_41 : vector<1x25x128xi1>
    %mul3A_42 = arith.mulf %exp3A, %select_n3A_32 : vector<1x25x128xf32>
    %mul3A_43 = arith.mulf %mul3A_42, %sub3A_37 : vector<1x25x128xf32>
    %jit3A_44 = arith.constant 0.000000e+00 : f32
    %broadcast_in_dim3A_45 = vector.broadcast %jit3A_44 : f32 to vector<1x25x128xf32>
    %select_n3A_46 = arith.select %or3A, %broadcast_in_dim3A_45, %mul3A_43 : vector<1x25x128xi1>, vector<1x25x128xf32>
    %mul3A_47 = arith.mulf %exp3A, %logistic3A_21 : vector<1x25x128xf32>
    %sub3A_48 = arith.constant 1.000000e+00 : f32
    %sub3A_49 = vector.broadcast %sub3A_48 : f32 to vector<1x25x128xf32>
    %sub3A_50 = arith.subf %sub3A_49, %select_n3A_32 : vector<1x25x128xf32>
    %mul3A_51 = arith.mulf %mul3A_47, %sub3A_50 : vector<1x25x128xf32>
    %max3A = arith.maximumf %mul3A_51, %select_n3A_46 : vector<1x25x128xf32>
    %swap3A = arith.constant 0 : index
    %swap3A_52 = arith.constant 0 : index
    %swap3A_53 = arith.constant 0 : index
    %swap3A_54 = vector.load %arg4[%swap3A, %swap3A_52, %swap3A_53] : memref<1x25x128xf32, #tpu.memory_space<vmem>>, vector<1x25x128xf32>
    tpu.vector_store %arg4[%swap3A, %swap3A_52, %swap3A_53], %max3A {strides = array<i32>} : memref<1x25x128xf32, #tpu.memory_space<vmem>>, vector<1x25x128xf32>,
    return
  }
  func.func @transform_0(%arg0: i32) -> (i32, i32, i32, i32) {
    %c0_i32 = arith.constant 0 : i32
    %c0_i32_0 = arith.constant 0 : i32
    %c0_i32_1 = arith.constant 0 : i32
    %c0_i32_2 = arith.constant 0 : i32
    return %arg0, %c0_i32, %c0_i32_0, %c0_i32_1 : i32, i32, i32, i32
  }
  func.func @transform_1(%arg0: i32) -> (i32, i32, i32) {
    %c0_i32 = arith.constant 0 : i32
    %c0_i32_0 = arith.constant 0 : i32
    %c0_i32_1 = arith.constant 0 : i32
    return %arg0, %c0_i32, %c0_i32_0 : i32, i32, i32
  }
  func.func @transform_2(%arg0: i32) -> (i32, i32, i32) {
    %c0_i32 = arith.constant 0 : i32
    %c0_i32_0 = arith.constant 0 : i32
    %c0_i32_1 = arith.constant 0 : i32
    return %arg0, %c0_i32, %c0_i32_0 : i32, i32, i32
  }
  func.func @transform_3(%arg0: i32) -> (i32, i32, i32) {
    %c0_i32 = arith.constant 0 : i32
    %c0_i32_0 = arith.constant 0 : i32
    %c0_i32_1 = arith.constant 0 : i32
    return %arg0, %c0_i32, %c0_i32_0 : i32, i32, i32
  }
}

module attributes {stable_mosaic.version = 14 : i64} {
  func.func @_thr_kernel(%arg0: i32, %arg1: memref<8x20000xf32, #tpu.memory_space<vmem>>, %arg2: memref<8x8x128xi32, #tpu.memory_space<vmem>>) attributes {dimension_semantics = [#tpu.dimension_semantics<arbitrary>], iteration_bounds = array<i64: 1>, scalar_prefetch = 0 : i64, scratch_operands = 0 : i64, tpu.core_type = #tpu.core_type<tc>, window_params = [{pipeline_mode = #tpu.pipeline_mode<synchronous>, transform_indices = @transform_0, window_bounds = array<i64: 8, 20000>}, {pipeline_mode = #tpu.pipeline_mode<synchronous>, transform_indices = @transform_1, window_bounds = array<i64: 8, 8, 128>}]} {
    %get3A = arith.constant 0 : index
    %get3A_0 = arith.constant 0 : index
    %get3A_1 = vector.load %arg1[%get3A, %get3A_0] : memref<8x20000xf32, #tpu.memory_space<vmem>>, vector<8x20000xf32>
    %bitcast_convert_type3A = tpu.bitcast %get3A_1 : vector<8x20000xf32> -> vector<8x20000xi32>
    %broadcast_in_dim3A = arith.constant 0 : i32
    %broadcast_in_dim3A_2 = vector.broadcast %broadcast_in_dim3A : i32 to vector<8x1xi32>
    %broadcast_in_dim3A_3 = arith.constant 2139095040 : i32
    %broadcast_in_dim3A_4 = vector.broadcast %broadcast_in_dim3A_3 : i32 to vector<8x1xi32>
    %scan3A = arith.constant 0 : i32
    %scan3A_5 = arith.constant 31 : i32
    %scan3A_6 = arith.addi %scan3A, %scan3A_5 : i32
    %scan3A_7 = arith.constant 1 : i32
    %scan3A_8:2 = scf.for %scan3A_15 = %scan3A to %scan3A_6 step %scan3A_7 iter_args(%scan3A_16 = %broadcast_in_dim3A_2, %scan3A_17 = %broadcast_in_dim3A_4) -> (vector<8x1xi32>, vector<8x1xi32>)  : i32 {
      %sub3A = arith.subi %scan3A_17, %scan3A_16 : vector<8x1xi32>
      %add3A = arith.constant 1 : i32
      %add3A_18 = vector.broadcast %add3A : i32 to vector<8x1xi32>
      %add3A_19 = arith.addi %sub3A, %add3A_18 : vector<8x1xi32>
      %shift_right_arithmetic3A = arith.constant 1 : i32
      %shift_right_arithmetic3A_20 = vector.broadcast %shift_right_arithmetic3A : i32 to vector<8x1xi32>
      %shift_right_arithmetic3A_21 = arith.shrsi %add3A_19, %shift_right_arithmetic3A_20 : vector<8x1xi32>
      %add3A_22 = arith.addi %scan3A_16, %shift_right_arithmetic3A_21 : vector<8x1xi32>
      %ge3A = vector.broadcast %add3A_22 : vector<8x1xi32> to vector<8x20000xi32>
      %ge3A_23 = arith.cmpi sge, %bitcast_convert_type3A, %ge3A : vector<8x20000xi32>
      %convert_element_type3A = arith.extui %ge3A_23 : vector<8x20000xi1> to vector<8x20000xi32>
      %reduce_sum3A = arith.constant dense<0> : vector<8xi32>
      %reduce_sum3A_24 = vector.multi_reduction <add>, %convert_element_type3A, %reduce_sum3A [1] : vector<8x20000xi32> to vector<8xi32>
      %broadcast_in_dim3A_25 = vector.shape_cast %reduce_sum3A_24 : vector<8xi32> to vector<8x1xi32>
      %ge3A_26 = arith.constant 128 : i32
      %ge3A_27 = vector.broadcast %ge3A_26 : i32 to vector<8x1xi32>
      %ge3A_28 = arith.cmpi sge, %broadcast_in_dim3A_25, %ge3A_27 : vector<8x1xi32>
      %select_n3A = arith.select %ge3A_28, %add3A_22, %scan3A_16 : vector<8x1xi1>, vector<8x1xi32>
      %sub3A_29 = arith.constant 1 : i32
      %sub3A_30 = vector.broadcast %sub3A_29 : i32 to vector<8x1xi32>
      %sub3A_31 = arith.subi %add3A_22, %sub3A_30 : vector<8x1xi32>
      %select_n3A_32 = arith.select %ge3A_28, %scan3A_17, %sub3A_31 : vector<8x1xi1>, vector<8x1xi32>
      scf.yield %select_n3A, %select_n3A_32 : vector<8x1xi32>, vector<8x1xi32>
    }
    %broadcast_in_dim3A_9 = vector.shape_cast %scan3A_8#0 : vector<8x1xi32> to vector<8x1x1xi32>
    %broadcast_in_dim3A_10 = vector.shape_cast %broadcast_in_dim3A_9 : vector<8x1x1xi32> to vector<8x1x1xi32>
    %broadcast_in_dim3A_11 = vector.broadcast %broadcast_in_dim3A_10 : vector<8x1x1xi32> to vector<8x8x128xi32>
    %swap3A = arith.constant 0 : index
    %swap3A_12 = arith.constant 0 : index
    %swap3A_13 = arith.constant 0 : index
    %swap3A_14 = vector.load %arg2[%swap3A, %swap3A_12, %swap3A_13] : memref<8x8x128xi32, #tpu.memory_space<vmem>>, vector<8x8x128xi32>
    tpu.vector_store %arg2[%swap3A, %swap3A_12, %swap3A_13], %broadcast_in_dim3A_11 {strides = array<i32>} : memref<8x8x128xi32, #tpu.memory_space<vmem>>, vector<8x8x128xi32>,
    return
  }
  func.func @transform_0(%arg0: i32) -> (i32, i32) {
    %c0_i32 = arith.constant 0 : i32
    %c0_i32_0 = arith.constant 0 : i32
    %c0_i32_1 = arith.constant 0 : i32
    return %c0_i32, %c0_i32_0 : i32, i32
  }
  func.func @transform_1(%arg0: i32) -> (i32, i32, i32) {
    %c0_i32 = arith.constant 0 : i32
    %c0_i32_0 = arith.constant 0 : i32
    %c0_i32_1 = arith.constant 0 : i32
    %c0_i32_2 = arith.constant 0 : i32
    return %c0_i32, %c0_i32_0, %c0_i32_1 : i32, i32, i32
  }
}

module attributes {stable_mosaic.version = 14 : i64} {
  func.func @_select_kernel(%arg0: i32, %arg1: memref<1x128x96xf32, #tpu.memory_space<vmem>>, %arg2: memref<1x128x8xf32, #tpu.memory_space<vmem>>, %arg3: memref<1x1x16xi32, #tpu.memory_space<vmem>>, %arg4: memref<1x1x2xf32, #tpu.memory_space<vmem>>, %arg5: memref<1x128x1xf32, #tpu.memory_space<vmem>>, %arg6: memref<1x128x1xi32, #tpu.memory_space<vmem>>, %arg7: memref<1x128x4xf32, #tpu.memory_space<vmem>>) attributes {dimension_semantics = [#tpu.dimension_semantics<arbitrary>], iteration_bounds = array<i64: 8>, scalar_prefetch = 0 : i64, scratch_operands = 0 : i64, tpu.core_type = #tpu.core_type<tc>, window_params = [{transform_indices = @transform_0, window_bounds = array<i64: 1, 128, 96>}, {transform_indices = @transform_1, window_bounds = array<i64: 1, 128, 8>}, {transform_indices = @transform_2, window_bounds = array<i64: 1, 1, 16>}, {transform_indices = @transform_3, window_bounds = array<i64: 1, 1, 2>}, {transform_indices = @transform_4, window_bounds = array<i64: 1, 128, 1>}, {transform_indices = @transform_5, window_bounds = array<i64: 1, 128, 1>}, {transform_indices = @transform_6, window_bounds = array<i64: 1, 128, 4>}]} {
    %get3A = arith.constant 0 : index
    %get3A_0 = arith.constant 0 : index
    %get3A_1 = arith.constant 0 : index
    %get3A_2 = vector.load %arg1[%get3A, %get3A_0, %get3A_1] : memref<1x128x96xf32, #tpu.memory_space<vmem>>, vector<1x128x96xf32>
    %get3A_3 = vector.shape_cast %get3A_2 : vector<1x128x96xf32> to vector<128x96xf32>
    %get3A_4 = arith.constant 0 : index
    %get3A_5 = arith.constant 0 : index
    %get3A_6 = arith.constant 0 : index
    %get3A_7 = vector.load %arg2[%get3A_4, %get3A_5, %get3A_6] : memref<1x128x8xf32, #tpu.memory_space<vmem>>, vector<1x128x8xf32>
    %get3A_8 = vector.shape_cast %get3A_7 : vector<1x128x8xf32> to vector<128x8xf32>
    %get3A_9 = arith.constant 0 : index
    %get3A_10 = arith.constant 0 : index
    %get3A_11 = arith.constant 0 : index
    %get3A_12 = vector.load %arg3[%get3A_9, %get3A_10, %get3A_11] : memref<1x1x16xi32, #tpu.memory_space<vmem>>, vector<1x1x16xi32>
    %get3A_13 = vector.shape_cast %get3A_12 : vector<1x1x16xi32> to vector<1x16xi32>
    %reduce_max3A = vector.shape_cast %get3A_13 : vector<1x16xi32> to vector<1x1x16xi32>
    %reduce_max3A_14 = arith.constant dense<-2147483648> : vector<1xi32>
    %reduce_max3A_15 = vector.multi_reduction <maxsi>, %reduce_max3A, %reduce_max3A_14 [1, 2] : vector<1x1x16xi32> to vector<1xi32>
    %reduce_max3A_16 = vector.shape_cast %reduce_max3A_15 : vector<1xi32> to vector<1x1x1xi32>
    %reduce_max3A_17 = vector.extract %reduce_max3A_16[0, 0, 0] : i32 from vector<1x1x1xi32>
    %iota3A = tpu.iota {dimensions = array<i32: 0>} : vector<128x128xi32>
    %iota3A_18 = tpu.iota {dimensions = array<i32: 1>} : vector<128x128xi32>
    %eq3A = arith.cmpi eq, %iota3A_18, %iota3A : vector<128x128xi32>
    %convert_element_type3A = arith.extui %eq3A : vector<128x128xi1> to vector<128x128xi32>
    %convert_element_type3A_19 = arith.sitofp %convert_element_type3A : vector<128x128xi32> to vector<128x128xf32>
    %iota3A_20 = tpu.iota {dimensions = array<i32: 0>} : vector<128x1xi32>
    %lt3A = vector.broadcast %reduce_max3A_17 : i32 to vector<128x1xi32>
    %lt3A_21 = arith.cmpi slt, %iota3A_20, %lt3A : vector<128x1xi32>
    %slice3A = vector.extract_strided_slice %get3A_8 {offsets = [0, 0], sizes = [128, 1], strides = [1, 1]} : vector<128x8xf32> to vector<128x1xf32>
    %mul3A = arith.constant -1.300000e+00 : f32
    %mul3A_22 = vector.broadcast %mul3A : f32 to vector<128x1xf32>
    %mul3A_23 = arith.mulf %mul3A_22, %slice3A : vector<128x1xf32>
    %exp3A = math.exp %mul3A_23 : vector<128x1xf32>
    %slice3A_24 = vector.extract_strided_slice %get3A_8 {offsets = [0, 1], sizes = [128, 1], strides = [1, 1]} : vector<128x8xf32> to vector<128x1xf32>
    %logistic3A = arith.negf %slice3A_24 : vector<128x1xf32>
    %logistic3A_25 = math.exp %logistic3A : vector<128x1xf32>
    %logistic3A_26 = arith.constant 1.000000e+00 : f32
    %logistic3A_27 = vector.broadcast %logistic3A_26 : f32 to vector<128x1xf32>
    %logistic3A_28 = arith.addf %logistic3A_27, %logistic3A_25 : vector<128x1xf32>
    %logistic3A_29 = arith.divf %logistic3A_27, %logistic3A_28 : vector<128x1xf32>
    %logistic3A_30 = arith.negf %get3A_3 : vector<128x96xf32>
    %logistic3A_31 = math.exp %logistic3A_30 : vector<128x96xf32>
    %logistic3A_32 = arith.constant 1.000000e+00 : f32
    %logistic3A_33 = vector.broadcast %logistic3A_32 : f32 to vector<128x96xf32>
    %logistic3A_34 = arith.addf %logistic3A_33, %logistic3A_31 : vector<128x96xf32>
    %logistic3A_35 = arith.divf %logistic3A_33, %logistic3A_34 : vector<128x96xf32>
    %gt3A = arith.constant 2.000000e-01 : f32
    %gt3A_36 = vector.broadcast %gt3A : f32 to vector<128x96xf32>
    %gt3A_37 = arith.cmpf ogt, %logistic3A_35, %gt3A_36 : vector<128x96xf32>
    %convert_element_type3A_38 = arith.extui %gt3A_37 : vector<128x96xi1> to vector<128x96xi32>
    %convert_element_type3A_39 = arith.sitofp %convert_element_type3A_38 : vector<128x96xi32> to vector<128x96xf32>
    %mul3A_40 = arith.mulf %logistic3A_35, %convert_element_type3A_39 : vector<128x96xf32>
    %iota3A_41 = tpu.iota {dimensions = array<i32: 1>} : vector<128x96xi32>
    %ge3A = arith.constant 81 : i32
    %ge3A_42 = vector.broadcast %ge3A : i32 to vector<128x96xi32>
    %ge3A_43 = arith.cmpi sge, %iota3A_41, %ge3A_42 : vector<128x96xi32>
    %jit3A = arith.constant 0.000000e+00 : f32
    %broadcast_in_dim3A = vector.broadcast %jit3A : f32 to vector<128x96xf32>
    %select_n3A = arith.select %ge3A_43, %broadcast_in_dim3A, %mul3A_40 : vector<128x96xi1>, vector<128x96xf32>
    %lt3A_44 = arith.constant 90 : i32
    %lt3A_45 = vector.broadcast %lt3A_44 : i32 to vector<128x96xi32>
    %lt3A_46 = arith.cmpi slt, %iota3A_41, %lt3A_45 : vector<128x96xi32>
    %jit3A_47 = arith.constant 0.000000e+00 : f32
    %broadcast_in_dim3A_48 = vector.broadcast %jit3A_47 : f32 to vector<128x96xf32>
    %select_n3A_49 = arith.select %lt3A_46, %select_n3A, %broadcast_in_dim3A_48 : vector<128x96xi1>, vector<128x96xf32>
    %reduce_max3A_50 = arith.constant dense<0xFF800000> : vector<128xf32>
    %reduce_max3A_51 = vector.multi_reduction <maximumf>, %select_n3A_49, %reduce_max3A_50 [1] : vector<128x96xf32> to vector<128xf32>
    %broadcast_in_dim3A_52 = vector.shape_cast %reduce_max3A_51 : vector<128xf32> to vector<128x1xf32>
    %mul3A_53 = arith.constant 1.500000e+00 : f32
    %mul3A_54 = vector.broadcast %mul3A_53 : f32 to vector<128x1xf32>
    %mul3A_55 = arith.mulf %mul3A_54, %logistic3A_29 : vector<128x1xf32>
    %sub3A = arith.constant 1.000000e+00 : f32
    %sub3A_56 = vector.broadcast %sub3A : f32 to vector<128x1xf32>
    %sub3A_57 = arith.subf %sub3A_56, %mul3A_55 : vector<128x1xf32>
    %gt3A_58 = arith.cmpf ogt, %logistic3A_29, %broadcast_in_dim3A_52 : vector<128x1xf32>
    %mul3A_59 = vector.broadcast %exp3A : vector<128x1xf32> to vector<128x96xf32>
    %mul3A_60 = arith.mulf %mul3A_59, %select_n3A : vector<128x96xf32>
    %mul3A_61 = vector.broadcast %sub3A_57 : vector<128x1xf32> to vector<128x96xf32>
    %mul3A_62 = arith.mulf %mul3A_60, %mul3A_61 : vector<128x96xf32>
    %jit3A_63 = arith.constant 0.000000e+00 : f32
    %broadcast_in_dim3A_64 = vector.shape_cast %gt3A_58 : vector<128x1xi1> to vector<128x1xi1>
    %broadcast_in_dim3A_65 = vector.broadcast %broadcast_in_dim3A_64 : vector<128x1xi1> to vector<128x96xi1>
    %broadcast_in_dim3A_66 = vector.broadcast %jit3A_63 : f32 to vector<128x96xf32>
    %select_n3A_67 = arith.select %broadcast_in_dim3A_65, %broadcast_in_dim3A_66, %mul3A_62 : vector<128x96xi1>, vector<128x96xf32>
    %mul3A_68 = arith.mulf %exp3A, %logistic3A_29 : vector<128x1xf32>
    %sub3A_69 = arith.constant 1.000000e+00 : f32
    %sub3A_70 = vector.broadcast %sub3A_69 : f32 to vector<128x1xf32>
    %sub3A_71 = arith.subf %sub3A_70, %broadcast_in_dim3A_52 : vector<128x1xf32>
    %mul3A_72 = arith.mulf %mul3A_68, %sub3A_71 : vector<128x1xf32>
    %eq3A_73 = arith.constant 90 : i32
    %eq3A_74 = vector.broadcast %eq3A_73 : i32 to vector<128x96xi32>
    %eq3A_75 = arith.cmpi eq, %iota3A_41, %eq3A_74 : vector<128x96xi32>
    %broadcast_in_dim3A_76 = vector.shape_cast %mul3A_72 : vector<128x1xf32> to vector<128x1xf32>
    %broadcast_in_dim3A_77 = vector.broadcast %broadcast_in_dim3A_76 : vector<128x1xf32> to vector<128x96xf32>
    %select_n3A_78 = arith.select %eq3A_75, %broadcast_in_dim3A_77, %select_n3A_67 : vector<128x96xi1>, vector<128x96xf32>
    %jit3A_79 = arith.constant -1.000000e+00 : f32
    %broadcast_in_dim3A_80 = vector.shape_cast %lt3A_21 : vector<128x1xi1> to vector<128x1xi1>
    %broadcast_in_dim3A_81 = vector.broadcast %broadcast_in_dim3A_80 : vector<128x1xi1> to vector<128x96xi1>
    %broadcast_in_dim3A_82 = vector.broadcast %jit3A_79 : f32 to vector<128x96xf32>
    %select_n3A_83 = arith.select %broadcast_in_dim3A_81, %select_n3A_78, %broadcast_in_dim3A_82 : vector<128x96xi1>, vector<128x96xf32>
    %bitcast_convert_type3A = tpu.bitcast %select_n3A_83 : vector<128x96xf32> -> vector<128x96xi32>
    %scan3A = arith.constant 0 : i32
    %scan3A_84 = arith.constant 2139095040 : i32
    %scan3A_85 = arith.constant 0 : i32
    %scan3A_86 = arith.constant 31 : i32
    %scan3A_87 = arith.addi %scan3A_85, %scan3A_86 : i32
    %scan3A_88 = arith.constant 1 : i32
    %scan3A_89:2 = scf.for %scan3A_269 = %scan3A_85 to %scan3A_87 step %scan3A_88 iter_args(%scan3A_270 = %scan3A, %scan3A_271 = %scan3A_84) -> (i32, i32)  : i32 {
      %sub3A_272 = arith.subi %scan3A_271, %scan3A_270 : i32
      %add3A_273 = arith.constant 1 : i32
      %add3A_274 = arith.addi %sub3A_272, %add3A_273 : i32
      %shift_right_arithmetic3A = arith.constant 1 : i32
      %shift_right_arithmetic3A_275 = arith.shrsi %add3A_274, %shift_right_arithmetic3A : i32
      %add3A_276 = arith.addi %scan3A_270, %shift_right_arithmetic3A_275 : i32
      %ge3A_277 = vector.broadcast %add3A_276 : i32 to vector<128x96xi32>
      %ge3A_278 = arith.cmpi sge, %bitcast_convert_type3A, %ge3A_277 : vector<128x96xi32>
      %convert_element_type3A_279 = arith.extui %ge3A_278 : vector<128x96xi1> to vector<128x96xi32>
      %reduce_sum3A_280 = vector.shape_cast %convert_element_type3A_279 : vector<128x96xi32> to vector<1x128x96xi32>
      %reduce_sum3A_281 = arith.constant dense<0> : vector<1xi32>
      %reduce_sum3A_282 = vector.multi_reduction <add>, %reduce_sum3A_280, %reduce_sum3A_281 [1, 2] : vector<1x128x96xi32> to vector<1xi32>
      %reduce_sum3A_283 = vector.shape_cast %reduce_sum3A_282 : vector<1xi32> to vector<1x1x1xi32>
      %reduce_sum3A_284 = vector.extract %reduce_sum3A_283[0, 0, 0] : i32 from vector<1x1x1xi32>
      %ge3A_285 = arith.constant 100 : i32
      %ge3A_286 = arith.cmpi sge, %reduce_sum3A_284, %ge3A_285 : i32
      %select_n3A_287 = arith.select %ge3A_286, %add3A_276, %scan3A_270 : i32
      %sub3A_288 = arith.constant 1 : i32
      %sub3A_289 = arith.subi %add3A_276, %sub3A_288 : i32
      %select_n3A_290 = arith.select %ge3A_286, %scan3A_271, %sub3A_289 : i32
      scf.yield %select_n3A_287, %select_n3A_290 : i32, i32
    }
    %ge3A_90 = vector.broadcast %scan3A_89#0 : i32 to vector<128x96xi32>
    %ge3A_91 = arith.cmpi sge, %bitcast_convert_type3A, %ge3A_90 : vector<128x96xi32>
    %convert_element_type3A_92 = arith.extui %ge3A_91 : vector<128x96xi1> to vector<128x96xi32>
    %convert_element_type3A_93 = arith.sitofp %convert_element_type3A_92 : vector<128x96xi32> to vector<128x96xf32>
    %reduce_sum3A = arith.constant dense<0.000000e+00> : vector<128xf32>
    %reduce_sum3A_94 = vector.multi_reduction <add>, %convert_element_type3A_93, %reduce_sum3A [1] : vector<128x96xf32> to vector<128xf32>
    %broadcast_in_dim3A_95 = vector.shape_cast %reduce_sum3A_94 : vector<128xf32> to vector<128x1xf32>
    %lt3A_96 = arith.cmpi slt, %iota3A_18, %iota3A : vector<128x128xi32>
    %convert_element_type3A_97 = arith.extui %lt3A_96 : vector<128x128xi1> to vector<128x128xi32>
    %convert_element_type3A_98 = arith.sitofp %convert_element_type3A_97 : vector<128x128xi32> to vector<128x128xf32>
    %broadcast_in_dim3A_99 = arith.constant 1.000000e+00 : f32
    %broadcast_in_dim3A_100 = vector.broadcast %broadcast_in_dim3A_99 : f32 to vector<1x128xf32>
    %dot_general3A = arith.constant dense<0.000000e+00> : vector<128x1xf32>
    %dot_general3A_101 = tpu.matmul %convert_element_type3A_98, %broadcast_in_dim3A_95, %dot_general3A {dimension_numbers = #tpu.dot_dimension_numbers<[1], [0], [0], [1], [0, 0, 1, 1], [], []>, precision = #tpu.contract_precision<fp32>, transpose_lhs_hint = false} : vector<128x128xf32>, vector<128x1xf32>, vector<128x1xf32> -> vector<128x1xf32>
    %mul3A_102 = vector.broadcast %dot_general3A_101 : vector<128x1xf32> to vector<128x128xf32>
    %mul3A_103 = arith.mulf %convert_element_type3A_19, %mul3A_102 : vector<128x128xf32>
    %dot_general3A_104 = arith.constant dense<0.000000e+00> : vector<1x128xf32>
    %dot_general3A_105 = tpu.matmul %broadcast_in_dim3A_100, %mul3A_103, %dot_general3A_104 {dimension_numbers = #tpu.dot_dimension_numbers<[1], [0], [0], [1], [0, 0, 1, 1], [], []>, precision = #tpu.contract_precision<fp32>, transpose_lhs_hint = false} : vector<1x128xf32>, vector<128x128xf32>, vector<1x128xf32> -> vector<1x128xf32>
    %add3A = arith.addf %dot_general3A_101, %broadcast_in_dim3A_95 : vector<128x1xf32>
    %mul3A_106 = vector.broadcast %add3A : vector<128x1xf32> to vector<128x128xf32>
    %mul3A_107 = arith.mulf %convert_element_type3A_19, %mul3A_106 : vector<128x128xf32>
    %dot_general3A_108 = arith.constant dense<0.000000e+00> : vector<1x128xf32>
    %dot_general3A_109 = tpu.matmul %broadcast_in_dim3A_100, %mul3A_107, %dot_general3A_108 {dimension_numbers = #tpu.dot_dimension_numbers<[1], [0], [0], [1], [0, 0, 1, 1], [], []>, precision = #tpu.contract_precision<fp32>, transpose_lhs_hint = false} : vector<1x128xf32>, vector<128x128xf32>, vector<1x128xf32> -> vector<1x128xf32>
    %iota3A_110 = tpu.iota {dimensions = array<i32: 0>} : vector<128x128xi32>
    %convert_element_type3A_111 = arith.sitofp %iota3A_110 : vector<128x128xi32> to vector<128x128xf32>
    %le3A = vector.broadcast %dot_general3A_105 : vector<1x128xf32> to vector<128x128xf32>
    %le3A_112 = arith.cmpf ole, %le3A, %convert_element_type3A_111 : vector<128x128xf32>
    %lt3A_113 = vector.broadcast %dot_general3A_109 : vector<1x128xf32> to vector<128x128xf32>
    %lt3A_114 = arith.cmpf olt, %convert_element_type3A_111, %lt3A_113 : vector<128x128xf32>
    %and3A = arith.andi %le3A_112, %lt3A_114 : vector<128x128xi1>
    %convert_element_type3A_115 = arith.extui %and3A : vector<128x128xi1> to vector<128x128xi32>
    %convert_element_type3A_116 = arith.sitofp %convert_element_type3A_115 : vector<128x128xi32> to vector<128x128xf32>
    %dot_general3A_117 = arith.constant dense<0.000000e+00> : vector<128x96xf32>
    %dot_general3A_118 = tpu.matmul %convert_element_type3A_116, %select_n3A_83, %dot_general3A_117 {dimension_numbers = #tpu.dot_dimension_numbers<[1], [0], [0], [1], [0, 0, 1, 1], [], []>, precision = #tpu.contract_precision<fp32>, transpose_lhs_hint = false} : vector<128x128xf32>, vector<128x96xf32>, vector<128x96xf32> -> vector<128x96xf32>
    %dot_general3A_119 = arith.constant dense<0.000000e+00> : vector<128x96xf32>
    %dot_general3A_120 = tpu.matmul %convert_element_type3A_116, %convert_element_type3A_93, %dot_general3A_119 {dimension_numbers = #tpu.dot_dimension_numbers<[1], [0], [0], [1], [0, 0, 1, 1], [], []>, precision = #tpu.contract_precision<fp32>, transpose_lhs_hint = false} : vector<128x128xf32>, vector<128x96xf32>, vector<128x96xf32> -> vector<128x96xf32>
    %dot_general3A_121 = arith.constant dense<0.000000e+00> : vector<128x8xf32>
    %dot_general3A_122 = tpu.matmul %convert_element_type3A_116, %get3A_8, %dot_general3A_121 {dimension_numbers = #tpu.dot_dimension_numbers<[1], [0], [0], [1], [0, 0, 1, 1], [], []>, precision = #tpu.contract_precision<fp32>, transpose_lhs_hint = false} : vector<128x128xf32>, vector<128x8xf32>, vector<128x8xf32> -> vector<128x8xf32>
    %iota3A_123 = tpu.iota {dimensions = array<i32: 0>} : vector<128x1xi32>
    %convert_element_type3A_124 = arith.sitofp %iota3A_123 : vector<128x1xi32> to vector<128x1xf32>
    %dot_general3A_125 = arith.constant dense<0.000000e+00> : vector<128x1xf32>
    %dot_general3A_126 = tpu.matmul %convert_element_type3A_116, %dot_general3A_101, %dot_general3A_125 {dimension_numbers = #tpu.dot_dimension_numbers<[1], [0], [0], [1], [0, 0, 1, 1], [], []>, precision = #tpu.contract_precision<fp32>, transpose_lhs_hint = false} : vector<128x128xf32>, vector<128x1xf32>, vector<128x1xf32> -> vector<128x1xf32>
    %sub3A_127 = arith.subf %convert_element_type3A_124, %dot_general3A_126 : vector<128x1xf32>
    %broadcast_in_dim3A_128 = arith.constant 0.000000e+00 : f32
    %broadcast_in_dim3A_129 = vector.broadcast %broadcast_in_dim3A_128 : f32 to vector<128x1xf32>
    %slice3A_130 = vector.extract_strided_slice %dot_general3A_120 {offsets = [0, 0], sizes = [128, 95], strides = [1, 1]} : vector<128x96xf32> to vector<128x95xf32>
    %concatenate3A = tpu.concatenate %broadcast_in_dim3A_129, %slice3A_130 in 1 : vector<128x1xf32>, vector<128x95xf32> -> vector<128x96xf32>
    %add3A_131 = arith.addf %dot_general3A_120, %concatenate3A : vector<128x96xf32>
    %broadcast_in_dim3A_132 = arith.constant 0.000000e+00 : f32
    %broadcast_in_dim3A_133 = vector.broadcast %broadcast_in_dim3A_132 : f32 to vector<128x2xf32>
    %slice3A_134 = vector.extract_strided_slice %add3A_131 {offsets = [0, 0], sizes = [128, 94], strides = [1, 1]} : vector<128x96xf32> to vector<128x94xf32>
    %concatenate3A_135 = tpu.concatenate %broadcast_in_dim3A_133, %slice3A_134 in 1 : vector<128x2xf32>, vector<128x94xf32> -> vector<128x96xf32>
    %add3A_136 = arith.addf %add3A_131, %concatenate3A_135 : vector<128x96xf32>
    %broadcast_in_dim3A_137 = arith.constant 0.000000e+00 : f32
    %broadcast_in_dim3A_138 = vector.broadcast %broadcast_in_dim3A_137 : f32 to vector<128x4xf32>
    %slice3A_139 = vector.extract_strided_slice %add3A_136 {offsets = [0, 0], sizes = [128, 92], strides = [1, 1]} : vector<128x96xf32> to vector<128x92xf32>
    %concatenate3A_140 = tpu.concatenate %broadcast_in_dim3A_138, %slice3A_139 in 1 : vector<128x4xf32>, vector<128x92xf32> -> vector<128x96xf32>
    %add3A_141 = arith.addf %add3A_136, %concatenate3A_140 : vector<128x96xf32>
    %broadcast_in_dim3A_142 = arith.constant 0.000000e+00 : f32
    %broadcast_in_dim3A_143 = vector.broadcast %broadcast_in_dim3A_142 : f32 to vector<128x8xf32>
    %slice3A_144 = vector.extract_strided_slice %add3A_141 {offsets = [0, 0], sizes = [128, 88], strides = [1, 1]} : vector<128x96xf32> to vector<128x88xf32>
    %concatenate3A_145 = tpu.concatenate %broadcast_in_dim3A_143, %slice3A_144 in 1 : vector<128x8xf32>, vector<128x88xf32> -> vector<128x96xf32>
    %add3A_146 = arith.addf %add3A_141, %concatenate3A_145 : vector<128x96xf32>
    %broadcast_in_dim3A_147 = arith.constant 0.000000e+00 : f32
    %broadcast_in_dim3A_148 = vector.broadcast %broadcast_in_dim3A_147 : f32 to vector<128x16xf32>
    %slice3A_149 = vector.extract_strided_slice %add3A_146 {offsets = [0, 0], sizes = [128, 80], strides = [1, 1]} : vector<128x96xf32> to vector<128x80xf32>
    %concatenate3A_150 = tpu.concatenate %broadcast_in_dim3A_148, %slice3A_149 in 1 : vector<128x16xf32>, vector<128x80xf32> -> vector<128x96xf32>
    %add3A_151 = arith.addf %add3A_146, %concatenate3A_150 : vector<128x96xf32>
    %broadcast_in_dim3A_152 = arith.constant 0.000000e+00 : f32
    %broadcast_in_dim3A_153 = vector.broadcast %broadcast_in_dim3A_152 : f32 to vector<128x32xf32>
    %slice3A_154 = vector.extract_strided_slice %add3A_151 {offsets = [0, 0], sizes = [128, 64], strides = [1, 1]} : vector<128x96xf32> to vector<128x64xf32>
    %concatenate3A_155 = tpu.concatenate %broadcast_in_dim3A_153, %slice3A_154 in 1 : vector<128x32xf32>, vector<128x64xf32> -> vector<128x96xf32>
    %add3A_156 = arith.addf %add3A_151, %concatenate3A_155 : vector<128x96xf32>
    %broadcast_in_dim3A_157 = arith.constant 0.000000e+00 : f32
    %broadcast_in_dim3A_158 = vector.broadcast %broadcast_in_dim3A_157 : f32 to vector<128x64xf32>
    %slice3A_159 = vector.extract_strided_slice %add3A_156 {offsets = [0, 0], sizes = [128, 32], strides = [1, 1]} : vector<128x96xf32> to vector<128x32xf32>
    %concatenate3A_160 = tpu.concatenate %broadcast_in_dim3A_158, %slice3A_159 in 1 : vector<128x64xf32>, vector<128x32xf32> -> vector<128x96xf32>
    %add3A_161 = arith.addf %add3A_156, %concatenate3A_160 : vector<128x96xf32>
    %add3A_162 = arith.constant 1.000000e+00 : f32
    %add3A_163 = vector.broadcast %add3A_162 : f32 to vector<128x1xf32>
    %add3A_164 = arith.addf %sub3A_127, %add3A_163 : vector<128x1xf32>
    %eq3A_165 = vector.broadcast %add3A_164 : vector<128x1xf32> to vector<128x96xf32>
    %eq3A_166 = arith.cmpf oeq, %add3A_161, %eq3A_165 : vector<128x96xf32>
    %gt3A_167 = arith.constant 5.000000e-01 : f32
    %gt3A_168 = vector.broadcast %gt3A_167 : f32 to vector<128x96xf32>
    %gt3A_169 = arith.cmpf ogt, %dot_general3A_120, %gt3A_168 : vector<128x96xf32>
    %and3A_170 = arith.andi %eq3A_166, %gt3A_169 : vector<128x96xi1>
    %convert_element_type3A_171 = arith.extui %and3A_170 : vector<128x96xi1> to vector<128x96xi32>
    %convert_element_type3A_172 = arith.sitofp %convert_element_type3A_171 : vector<128x96xi32> to vector<128x96xf32>
    %mul3A_173 = arith.mulf %convert_element_type3A_172, %dot_general3A_118 : vector<128x96xf32>
    %reduce_sum3A_174 = arith.constant dense<0.000000e+00> : vector<128xf32>
    %reduce_sum3A_175 = vector.multi_reduction <add>, %mul3A_173, %reduce_sum3A_174 [1] : vector<128x96xf32> to vector<128xf32>
    %broadcast_in_dim3A_176 = vector.shape_cast %reduce_sum3A_175 : vector<128xf32> to vector<128x1xf32>
    %iota3A_177 = tpu.iota {dimensions = array<i32: 1>} : vector<128x96xi32>
    %convert_element_type3A_178 = arith.sitofp %iota3A_177 : vector<128x96xi32> to vector<128x96xf32>
    %mul3A_179 = arith.mulf %convert_element_type3A_172, %convert_element_type3A_178 : vector<128x96xf32>
    %reduce_sum3A_180 = arith.constant dense<0.000000e+00> : vector<128xf32>
    %reduce_sum3A_181 = vector.multi_reduction <add>, %mul3A_179, %reduce_sum3A_180 [1] : vector<128x96xf32> to vector<128xf32>
    %broadcast_in_dim3A_182 = vector.shape_cast %reduce_sum3A_181 : vector<128xf32> to vector<128x1xf32>
    %mul3A_183 = vector.broadcast %broadcast_in_dim3A_176 : vector<128x1xf32> to vector<128x128xf32>
    %mul3A_184 = arith.mulf %convert_element_type3A_19, %mul3A_183 : vector<128x128xf32>
    %dot_general3A_185 = arith.constant dense<0.000000e+00> : vector<1x128xf32>
    %dot_general3A_186 = tpu.matmul %broadcast_in_dim3A_100, %mul3A_184, %dot_general3A_185 {dimension_numbers = #tpu.dot_dimension_numbers<[1], [0], [0], [1], [0, 0, 1, 1], [], []>, precision = #tpu.contract_precision<fp32>, transpose_lhs_hint = false} : vector<1x128xf32>, vector<128x128xf32>, vector<1x128xf32> -> vector<1x128xf32>
    %gt3A_187 = vector.broadcast %dot_general3A_186 : vector<1x128xf32> to vector<128x128xf32>
    %gt3A_188 = vector.broadcast %broadcast_in_dim3A_176 : vector<128x1xf32> to vector<128x128xf32>
    %gt3A_189 = arith.cmpf ogt, %gt3A_187, %gt3A_188 : vector<128x128xf32>
    %eq3A_190 = vector.broadcast %dot_general3A_186 : vector<1x128xf32> to vector<128x128xf32>
    %eq3A_191 = vector.broadcast %broadcast_in_dim3A_176 : vector<128x1xf32> to vector<128x128xf32>
    %eq3A_192 = arith.cmpf oeq, %eq3A_190, %eq3A_191 : vector<128x128xf32>
    %lt3A_193 = arith.cmpi slt, %iota3A_18, %iota3A : vector<128x128xi32>
    %and3A_194 = arith.andi %eq3A_192, %lt3A_193 : vector<128x128xi1>
    %or3A = arith.ori %gt3A_189, %and3A_194 : vector<128x128xi1>
    %convert_element_type3A_195 = arith.extui %or3A : vector<128x128xi1> to vector<128x128xi32>
    %convert_element_type3A_196 = arith.sitofp %convert_element_type3A_195 : vector<128x128xi32> to vector<128x128xf32>
    %reduce_sum3A_197 = arith.constant dense<0.000000e+00> : vector<128xf32>
    %reduce_sum3A_198 = vector.multi_reduction <add>, %convert_element_type3A_196, %reduce_sum3A_197 [1] : vector<128x128xf32> to vector<128xf32>
    %broadcast_in_dim3A_199 = vector.shape_cast %reduce_sum3A_198 : vector<128xf32> to vector<128x1xf32>
    %mul3A_200 = vector.broadcast %broadcast_in_dim3A_199 : vector<128x1xf32> to vector<128x128xf32>
    %mul3A_201 = arith.mulf %convert_element_type3A_19, %mul3A_200 : vector<128x128xf32>
    %dot_general3A_202 = arith.constant dense<0.000000e+00> : vector<1x128xf32>
    %dot_general3A_203 = tpu.matmul %broadcast_in_dim3A_100, %mul3A_201, %dot_general3A_202 {dimension_numbers = #tpu.dot_dimension_numbers<[1], [0], [0], [1], [0, 0, 1, 1], [], []>, precision = #tpu.contract_precision<fp32>, transpose_lhs_hint = false} : vector<1x128xf32>, vector<128x128xf32>, vector<1x128xf32> -> vector<1x128xf32>
    %eq3A_204 = vector.broadcast %dot_general3A_203 : vector<1x128xf32> to vector<128x128xf32>
    %eq3A_205 = arith.cmpf oeq, %eq3A_204, %convert_element_type3A_111 : vector<128x128xf32>
    %convert_element_type3A_206 = arith.extui %eq3A_205 : vector<128x128xi1> to vector<128x128xi32>
    %convert_element_type3A_207 = arith.sitofp %convert_element_type3A_206 : vector<128x128xi32> to vector<128x128xf32>
    %dot_general3A_208 = arith.constant dense<0.000000e+00> : vector<128x1xf32>
    %dot_general3A_209 = tpu.matmul %convert_element_type3A_207, %broadcast_in_dim3A_176, %dot_general3A_208 {dimension_numbers = #tpu.dot_dimension_numbers<[1], [0], [0], [1], [0, 0, 1, 1], [], []>, precision = #tpu.contract_precision<fp32>, transpose_lhs_hint = false} : vector<128x128xf32>, vector<128x1xf32>, vector<128x1xf32> -> vector<128x1xf32>
    %dot_general3A_210 = arith.constant dense<0.000000e+00> : vector<128x1xf32>
    %dot_general3A_211 = tpu.matmul %convert_element_type3A_207, %broadcast_in_dim3A_182, %dot_general3A_210 {dimension_numbers = #tpu.dot_dimension_numbers<[1], [0], [0], [1], [0, 0, 1, 1], [], []>, precision = #tpu.contract_precision<fp32>, transpose_lhs_hint = false} : vector<128x128xf32>, vector<128x1xf32>, vector<128x1xf32> -> vector<128x1xf32>
    %slice3A_212 = vector.extract_strided_slice %dot_general3A_122 {offsets = [0, 2], sizes = [128, 4], strides = [1, 1]} : vector<128x8xf32> to vector<128x4xf32>
    %dot_general3A_213 = arith.constant dense<0.000000e+00> : vector<128x4xf32>
    %dot_general3A_214 = tpu.matmul %convert_element_type3A_207, %slice3A_212, %dot_general3A_213 {dimension_numbers = #tpu.dot_dimension_numbers<[1], [0], [0], [1], [0, 0, 1, 1], [], []>, precision = #tpu.contract_precision<fp32>, transpose_lhs_hint = false} : vector<128x128xf32>, vector<128x4xf32>, vector<128x4xf32> -> vector<128x4xf32>
    %slice3A_215 = vector.extract_strided_slice %dot_general3A_214 {offsets = [0, 0], sizes = [128, 1], strides = [1, 1]} : vector<128x4xf32> to vector<128x1xf32>
    %slice3A_216 = vector.extract_strided_slice %dot_general3A_214 {offsets = [0, 1], sizes = [128, 1], strides = [1, 1]} : vector<128x4xf32> to vector<128x1xf32>
    %slice3A_217 = vector.extract_strided_slice %dot_general3A_214 {offsets = [0, 2], sizes = [128, 1], strides = [1, 1]} : vector<128x4xf32> to vector<128x1xf32>
    %slice3A_218 = vector.extract_strided_slice %dot_general3A_214 {offsets = [0, 3], sizes = [128, 1], strides = [1, 1]} : vector<128x4xf32> to vector<128x1xf32>
    %get3A_219 = arith.constant 0 : index
    %get3A_220 = arith.constant 0 : index
    %get3A_221 = arith.constant 0 : index
    %get3A_222 = vector.load %arg4[%get3A_219, %get3A_220, %get3A_221] : memref<1x1x2xf32, #tpu.memory_space<vmem>>, vector<1x1x1xf32>
    %get3A_223 = vector.shape_cast %get3A_222 : vector<1x1x1xf32> to vector<1x1xf32>
    %get3A_224 = arith.constant 0 : index
    %get3A_225 = arith.constant 0 : index
    %get3A_226 = arith.constant 1 : index
    %get3A_227 = vector.load %arg4[%get3A_224, %get3A_225, %get3A_226] : memref<1x1x2xf32, #tpu.memory_space<vmem>>, vector<1x1x1xf32>
    %get3A_228 = vector.shape_cast %get3A_227 : vector<1x1x1xf32> to vector<1x1xf32>
    %mul3A_229 = arith.constant 5.000000e-01 : f32
    %mul3A_230 = vector.broadcast %mul3A_229 : f32 to vector<128x1xf32>
    %mul3A_231 = arith.mulf %mul3A_230, %slice3A_217 : vector<128x1xf32>
    %sub3A_232 = arith.subf %slice3A_215, %mul3A_231 : vector<128x1xf32>
    %mul3A_233 = vector.broadcast %get3A_228 : vector<1x1xf32> to vector<128x1xf32>
    %mul3A_234 = arith.mulf %sub3A_232, %mul3A_233 : vector<128x1xf32>
    %mul3A_235 = arith.constant 5.000000e-01 : f32
    %mul3A_236 = vector.broadcast %mul3A_235 : f32 to vector<128x1xf32>
    %mul3A_237 = arith.mulf %mul3A_236, %slice3A_218 : vector<128x1xf32>
    %sub3A_238 = arith.subf %slice3A_216, %mul3A_237 : vector<128x1xf32>
    %mul3A_239 = vector.broadcast %get3A_223 : vector<1x1xf32> to vector<128x1xf32>
    %mul3A_240 = arith.mulf %sub3A_238, %mul3A_239 : vector<128x1xf32>
    %mul3A_241 = arith.constant 5.000000e-01 : f32
    %mul3A_242 = vector.broadcast %mul3A_241 : f32 to vector<128x1xf32>
    %mul3A_243 = arith.mulf %mul3A_242, %slice3A_217 : vector<128x1xf32>
    %add3A_244 = arith.addf %slice3A_215, %mul3A_243 : vector<128x1xf32>
    %mul3A_245 = vector.broadcast %get3A_228 : vector<1x1xf32> to vector<128x1xf32>
    %mul3A_246 = arith.mulf %add3A_244, %mul3A_245 : vector<128x1xf32>
    %mul3A_247 = arith.constant 5.000000e-01 : f32
    %mul3A_248 = vector.broadcast %mul3A_247 : f32 to vector<128x1xf32>
    %mul3A_249 = arith.mulf %mul3A_248, %slice3A_218 : vector<128x1xf32>
    %add3A_250 = arith.addf %slice3A_216, %mul3A_249 : vector<128x1xf32>
    %mul3A_251 = vector.broadcast %get3A_223 : vector<1x1xf32> to vector<128x1xf32>
    %mul3A_252 = arith.mulf %add3A_250, %mul3A_251 : vector<128x1xf32>
    %broadcast_in_dim3A_253 = vector.shape_cast %dot_general3A_209 : vector<128x1xf32> to vector<1x128x1xf32>
    %swap3A = arith.constant 0 : index
    %swap3A_254 = arith.constant 0 : index
    %swap3A_255 = arith.constant 0 : index
    %swap3A_256 = vector.load %arg5[%swap3A, %swap3A_254, %swap3A_255] : memref<1x128x1xf32, #tpu.memory_space<vmem>>, vector<1x128x1xf32>
    tpu.vector_store %arg5[%swap3A, %swap3A_254, %swap3A_255], %broadcast_in_dim3A_253 {strides = array<i32>} : memref<1x128x1xf32, #tpu.memory_space<vmem>>, vector<1x128x1xf32>,
    %convert_element_type3A_257 = arith.fptosi %dot_general3A_211 : vector<128x1xf32> to vector<128x1xi32>
    %broadcast_in_dim3A_258 = vector.shape_cast %convert_element_type3A_257 : vector<128x1xi32> to vector<1x128x1xi32>
    %swap3A_259 = arith.constant 0 : index
    %swap3A_260 = arith.constant 0 : index
    %swap3A_261 = arith.constant 0 : index
    %swap3A_262 = vector.load %arg6[%swap3A_259, %swap3A_260, %swap3A_261] : memref<1x128x1xi32, #tpu.memory_space<vmem>>, vector<1x128x1xi32>
    tpu.vector_store %arg6[%swap3A_259, %swap3A_260, %swap3A_261], %broadcast_in_dim3A_258 {strides = array<i32>} : memref<1x128x1xi32, #tpu.memory_space<vmem>>, vector<1x128x1xi32>,
    %concatenate3A_263 = tpu.concatenate %mul3A_234, %mul3A_240, %mul3A_246, %mul3A_252 in 1 : vector<128x1xf32>, vector<128x1xf32>, vector<128x1xf32>, vector<128x1xf32> -> vector<128x4xf32>
    %broadcast_in_dim3A_264 = vector.shape_cast %concatenate3A_263 : vector<128x4xf32> to vector<1x128x4xf32>
    %swap3A_265 = arith.constant 0 : index
    %swap3A_266 = arith.constant 0 : index
    %swap3A_267 = arith.constant 0 : index
    %swap3A_268 = vector.load %arg7[%swap3A_265, %swap3A_266, %swap3A_267] : memref<1x128x4xf32, #tpu.memory_space<vmem>>, vector<1x128x4xf32>
    tpu.vector_store %arg7[%swap3A_265, %swap3A_266, %swap3A_267], %broadcast_in_dim3A_264 {strides = array<i32>} : memref<1x128x4xf32, #tpu.memory_space<vmem>>, vector<1x128x4xf32>,
    return
  }
  func.func @transform_0(%arg0: i32) -> (i32, i32, i32) {
    %c0_i32 = arith.constant 0 : i32
    %c0_i32_0 = arith.constant 0 : i32
    %c0_i32_1 = arith.constant 0 : i32
    return %arg0, %c0_i32, %c0_i32_0 : i32, i32, i32
  }
  func.func @transform_1(%arg0: i32) -> (i32, i32, i32) {
    %c0_i32 = arith.constant 0 : i32
    %c0_i32_0 = arith.constant 0 : i32
    %c0_i32_1 = arith.constant 0 : i32
    return %arg0, %c0_i32, %c0_i32_0 : i32, i32, i32
  }
  func.func @transform_2(%arg0: i32) -> (i32, i32, i32) {
    %c0_i32 = arith.constant 0 : i32
    %c0_i32_0 = arith.constant 0 : i32
    %c0_i32_1 = arith.constant 0 : i32
    return %arg0, %c0_i32, %c0_i32_0 : i32, i32, i32
  }
  func.func @transform_3(%arg0: i32) -> (i32, i32, i32) {
    %c0_i32 = arith.constant 0 : i32
    %c0_i32_0 = arith.constant 0 : i32
    %c0_i32_1 = arith.constant 0 : i32
    return %arg0, %c0_i32, %c0_i32_0 : i32, i32, i32
  }
  func.func @transform_4(%arg0: i32) -> (i32, i32, i32) {
    %c0_i32 = arith.constant 0 : i32
    %c0_i32_0 = arith.constant 0 : i32
    %c0_i32_1 = arith.constant 0 : i32
    return %arg0, %c0_i32, %c0_i32_0 : i32, i32, i32
  }
  func.func @transform_5(%arg0: i32) -> (i32, i32, i32) {
    %c0_i32 = arith.constant 0 : i32
    %c0_i32_0 = arith.constant 0 : i32
    %c0_i32_1 = arith.constant 0 : i32
    return %arg0, %c0_i32, %c0_i32_0 : i32, i32, i32
  }
  func.func @transform_6(%arg0: i32) -> (i32, i32, i32) {
    %c0_i32 = arith.constant 0 : i32
    %c0_i32_0 = arith.constant 0 : i32
    %c0_i32_1 = arith.constant 0 : i32
    return %arg0, %c0_i32, %c0_i32_0 : i32, i32, i32
  }
}

</mosaic_0001>

<sc_bundles>
// kernel: kernel.6.cloned.1.call-start
scs
__scs_entry_jumppad:
0x0: {  	(pc) =	sbr.rel $0x88, $3  }
0x1: {  	(tag) =	ssettag $0x0;
	lr =	simm.s32 $0x1  }
0x2: {  	[smem:$0x3F9C] =	sst lr;
	_ =	strace $0xD0000000  }
0x3: {  	_ = 	snop  }
0x4: {  	_ = 	snop  }
0x5: {  	_ = 	snop  }
0x6: {  	_ = 	snop  }
0x7: {  	_ = 	snop  }
__scs_overlays_trampoline_lowered:
0x8: {  	[smem:$0x3FAB] =	sst s0  }
0x9: {  	[smem:$0x3FAC] =	sst s1  }
0xa: {  	[smem:$0x3FAD] =	sst s2  }
0xb: {  	[smem:$0x3FAE] =	sst s3  }
0xc: {  	[smem:$0x3FAF] =	sst s4  }
0xd: {  	[smem:$0x3FB0] =	sst s5  }
0xe: {  	[smem:$0x3FB1] =	sst s6  }
0xf: {  	[smem:$0x3FB2] =	sst s7  }
0x10: {  	[smem:$0x3FB3] =	sst s8  }
0x11: {  	[smem:$0x3FB4] =	sst s9;
	s0 =	simm.s32 @!p0 $0x0  }
0x12: {  	s1 =	sld [smem:$0x3F9A];
	s0 =	simm.s32 @p0 $0x1  }
0x13: {  	[smem:$0x3FB5] =	sst s0;
	s0 =	simm.s32 @!p1 $0x0  }
0x14: {  	s2 =	sld [smem:$0x3F99];
	s0 =	simm.s32 @p1 $0x1  }
0x15: {  	[smem:$0x3FB6] =	sst s0;
	s0 =	simm.s32 @!p2 $0x0  }
0x16: {  	s3 =	sld [smem:$0x3FDB];
	s0 =	simm.s32 @p2 $0x1  }
0x17: {  	s4 =	simm.s32 $0x1BF5;
	[smem:$0x3FB8] =	sst s0  }
0x18: {  	s0 =	sld [smem:$0x3F9B];
	_ =	swait.ge [sflag:s4], $0x0  }
0x19: {  	s7 =	sld [smem:$0x3F9C]  }
0x1a: {  	s8 =	sadd.s32 $0xFFFFE003, lr  }
0x1b: {  	s9 =	sadd.s32 $0xFFFFFEF7, lr;
	s5 =	simm.s32 $0xFFFFFFFF;
	p2 =	slt.u32 s8, $0xFFFFF086  }
0x1c: {  	p1 =	slt.u32 s9, $0xF7A;
	s5 =	simm.s32 @!p2 $0x0  }
0x1d: {  	s5 =	simm.s32 @p1 $0x1;
	p0 =	seq.s32 s7, s2  }
0x1e: {  	s7 =	smul.u32 @!p0 $0xF7A, s2;
	p2 =	seq.s32 @!p0 s5, $0x0  }
0x1f: {  	s9 =	smul.u32 $0xF7A, s1;
	s8 =	simm.s32 @!p0 $0x1BF5;
	p2 =	por !p2, p0  }
0x20: {  	[sflag:s8] =	ssyncset.s32 @!p0 $0xFFFFF086;
	s6 =	sadd.s32 @!p0 s3, s7;
	s7 =	simm.s32 @!p0 $0x108  }
0x21: {  	s3 =	sadd.s32 s3, s9;
	s6 =	sadd.s32 @!p0 $0x88, s6;
	s7 =	simm.s32 @p2 $0x1082  }
0x22: {  	[simem:s7], [sflag:s8] =	dma.local @!p0 [hbm:s6], $0xF7A  }
0x23: {  	s9 =	sor.u32 $0xD0000000, s2;
	s6 =	simm.s32 $0x108;
	_ =	swait.ge @!p0 [sflag:s8], $0x0  }
0x24: {  	s3 =	sadd.s32 $0x88, s3;
	s6 =	simm.s32 @!p1 $0x1082;
	[sflag:s4] =	ssyncset.s32 $0xFFFFF086  }
0x25: {  	[simem:s6], [sflag:s4] =	dma.local [hbm:s3], $0xF7A  }
0x26: {  	[smem:$0x3F9C] =	sst s1;
	(tag) =	ssettag s2;
	_ =	strace s9  }
0x27: {  	s1 =	sld [smem:$0x3FAC]  }
0x28: {  	s2 =	sld [smem:$0x3FAD]  }
0x29: {  	s4 =	sld [smem:$0x3FAF]  }
0x2a: {  	p0 =	seq.s32 s5, $0x0;
	s5 =	sld [smem:$0x3FB0]  }
0x2b: {  	s6 =	sld [smem:$0x3FB1]  }
0x2c: {  	s7 =	sld [smem:$0x3FB2]  }
0x2d: {  	s3 =	simm.s32 $0x108;
	s8 =	sld [smem:$0x3FB3]  }
0x2e: {  	s3 =	simm.s32 @!p0 $0x1082;
	s9 =	sld [smem:$0x3FB4]  }
0x2f: {  	lr =	sadd.s32 s0, s3;
	s0 =	sld [smem:$0x3FAB]  }
0x30: {  	s3 =	sld [smem:$0x3FAE]  }
0x31: {  	[smem:$0x3FB7] =	sst s10  }
0x32: {  	s10 =	sld [smem:$0x3FB5];
	_ =	sdelay $0x3  }
0x33: {  	p0 =	seq.s32 s10, $0x1;
	s10 =	sld [smem:$0x3FB7];
	_ =	sdelay $0x3  }
0x34: {  	[smem:$0x3FB7] =	sst s10  }
0x35: {  	s10 =	sld [smem:$0x3FB6];
	_ =	sdelay $0x3  }
0x36: {  	p1 =	seq.s32 s10, $0x1;
	s10 =	sld [smem:$0x3FB7];
	_ =	sdelay $0x3  }
0x37: {  	[smem:$0x3FB7] =	sst s10  }
0x38: {  	s10 =	sld [smem:$0x3FB8]  }
0x39: {  	_ = 	snop;
	(pc) =	sbr.ind lr, $3  }
0x3a: {  	_ = 	snop  }
0x3b: {  	_ = 	snop  }
0x3c: {  	p2 =	seq.s32 s10, $0x1;
	s10 =	sld [smem:$0x3FB7]  }
0x3d: {  	_ =	shalt  }
0x3e: {  	_ =	shalt  }
0x3f: {  	_ =	shalt  }
0x40: {  	_ =	shalt  }
0x41: {  	_ =	shalt  }
0x42: {  	_ =	shalt  }
0x43: {  	_ =	shalt  }
0x44: {  	_ =	shalt  }
0x45: {  	_ =	shalt  }
0x46: {  	_ =	shalt  }
0x47: {  	_ =	shalt  }
0x48: {  	_ =	shalt  }
0x49: {  	_ =	shalt  }
0x4a: {  	_ =	shalt  }
0x4b: {  	_ =	shalt  }
0x4c: {  	_ =	shalt  }
0x4d: {  	_ =	shalt  }
0x4e: {  	_ =	shalt  }
0x4f: {  	_ =	shalt  }
0x50: {  	_ =	shalt  }
0x51: {  	_ =	shalt  }
0x52: {  	_ =	shalt  }
0x53: {  	_ =	shalt  }
0x54: {  	_ =	shalt  }
0x55: {  	_ =	shalt  }
0x56: {  	_ =	shalt  }
0x57: {  	_ =	shalt  }
0x58: {  	_ =	shalt  }
0x59: {  	_ =	shalt  }
0x5a: {  	_ =	shalt  }
0x5b: {  	_ =	shalt  }
0x5c: {  	_ =	shalt  }
0x5d: {  	_ =	shalt  }
0x5e: {  	_ =	shalt  }
0x5f: {  	_ =	shalt  }
0x60: {  	_ =	shalt  }
0x61: {  	_ =	shalt  }
0x62: {  	_ =	shalt  }
0x63: {  	_ =	shalt  }
0x64: {  	_ =	shalt  }
0x65: {  	_ =	shalt  }
0x66: {  	_ =	shalt  }
0x67: {  	_ =	shalt  }
0x68: {  	_ =	shalt  }
0x69: {  	_ =	shalt  }
0x6a: {  	_ =	shalt  }
0x6b: {  	_ =	shalt  }
0x6c: {  	_ =	shalt  }
0x6d: {  	_ =	shalt  }
0x6e: {  	_ =	shalt  }
0x6f: {  	_ =	shalt  }
0x70: {  	_ =	shalt  }
0x71: {  	_ =	shalt  }
0x72: {  	_ =	shalt  }
0x73: {  	_ =	shalt  }
0x74: {  	_ =	shalt  }
0x75: {  	_ =	shalt  }
0x76: {  	_ =	shalt  }
0x77: {  	_ =	shalt  }
0x78: {  	_ =	shalt  }
0x79: {  	_ =	shalt  }
0x7a: {  	_ =	shalt  }
0x7b: {  	_ =	shalt  }
0x7c: {  	_ =	shalt  }
0x7d: {  	_ =	shalt  }
0x7e: {  	_ =	shalt  }
0x7f: {  	_ =	shalt  }
0x80: {  	_ =	shalt  }
0x81: {  	_ =	shalt  }
0x82: {  	_ =	shalt  }
0x83: {  	_ =	shalt  }
0x84: {  	_ =	shalt  }
0x85: {  	_ =	shalt  }
0x86: {  	_ =	shalt  }
0x87: {  	_ =	shalt  }
.Lfunc_end0:
.L_simem_size_0:
called_computation_lowered:
.L_overlay_start_0:
0x88: {  	s2 =	sld [smem:$0x3FD9]  }
0x89: {  	s3 =	sld [smem:$0x3FFE];
	_ =	sdelay $0x1  }
0x8a: {  	s1 =	srdreg.scid  }
0x8b: {  	s0 =	sand.u32 $0x1, s1  }
0x8c: {  	s14 =	sshll.u32 s0, $0xA;
	s2 =	sadd.s32 s3, s2  }
0x8d: {  	s2 =	sadd.s32 s2, s14  }
0x8e: {  	[smem:$0x3FC3] =	sst s2  }
0x8f: {  	_ = 	snop  }
0x90: {  	s2 =	sld [smem:$0x3FD0];
	_ =	sdelay $0x2  }
0x91: {  	s15 =	simm.s32 $0xA;
	s4 =	simm.s32 $0x10  }
0x92: {  	[smem:s4], [sflag:s15] =	dma.local [hbm:s2], $0x1  }
0x93: {  	_ =	swait.eq [sflag:s15], $0x1  }
0x94: {  	s16 =	sld [smem:$0x10];
	[sflag:s15] =	ssyncset.done $0x0  }
0x95: {  	s17 =	sld [smem:$0x11];
	[sflag:s15] =	ssyncadd.s32 $0xFFFFFFFF  }
0x96: {  	s18 =	sld [smem:$0x12];
	(tm) =	ssettm $0x1  }
0x97: {  	s5 =	sld [smem:$0x3FFB];
	_ =	sdelay $0x3  }
0x98: {  	_ =	strace s5  }
0x99: {  	s5 =	sld [smem:$0x3FFC];
	_ =	sdelay $0x3  }
0x9a: {  	_ =	strace s5  }
0x9b: {  	s5 =	sld [smem:$0x3FFD];
	_ =	sdelay $0x3  }
0x9c: {  	_ =	strace s5  }
0x9d: {  	_ =	strace $0x8FFFFFFF  }
0x9e: {  	s19 =	sld [smem:$0x3FDB];
	_ =	sdelay $0x1  }
0x9f: {  	s6 =	simm.s32 $_scs_section_size  }
0xa0: {  	s7 =	simm.s32 $_size__tile_overlayer_lowered;
	s8 =	simm.s32 $_tile_overlayer_lowered  }
0xa1: {  	s22 =	simm.s32 $0x1BFF;
	s21 =	sshll.u32 s8, $0x1;
	s5 =	sadd.s32 s6, s19  }
0xa2: {  	s9 =	simm.s32 $0x0;
	s20 =	sshll.u32 s7, $0x1;
	s7 =	sadd.s32 s21, s5  }
0xa3: {  	[timem:s9], [sflag:s22] =	dma.local [hbm:s7], s20  }
0xa4: {  	_ =	swait.ge [sflag:s22], s20  }
0xa5: {  	s6 =	ssub.s32 $0x0, s20;
	[sflag:s22] =	ssyncset.done $0x0  }
0xa6: {  	[sflag:s22] =	ssyncadd.s32 s6;
	_ =	sdelay $0x1  }
0xa7: {  	s23 =	simm.s32 $0x1B8B  }
0xa8: {  	_ =	swait.ge [sflag:s23], $0x1  }
0xa9: {  	[sflag:s23] =	ssyncset.done $0x0  }
0xaa: {  	s25 =	simm.s32 $0x1B8E;
	s24 =	sld [smem:$0x3FFE];
	[sflag:s23] =	ssyncadd.s32 $0xFFFFFFFF  }
0xab: {  	s26 =	simm.s32 $execute0_lowered;
	[smem:$0x3FD2] =	sst s25  }
0xac: {  	s7 =	sshll.u32 s26, $0x1;
	_ =	strace $0x80000046;
	[dreg:$0x1] =	wrdreg $0xFFFFFFFF  }
0xad: {  	s28 =	simm.s32 $_size_execute0_lowered;
	s5 =	sadd.s32 s5, s7;
	[dreg:$0x0] =	wrdreg $0x0  }
0xae: {  	s7 =	sshll.u32 s28, $0x1;
	[dreg:$0x2] =	wrdreg s5  }
0xaf: {  	[dreg:$0x3] =	wrdreg s7  }
0xb0: {  	[dreg:$0x4] =	wrdreg $0xC0  }
0xb1: {  	_ =	task [dreg:s9], $0x5FFFF  }
0xb2: {  	[dreg:$0x1] =	wrdreg $0xFFFFFFFF  }
0xb3: {  	[dreg:$0x0] =	wrdreg $0x60  }
0xb4: {  	[dreg:$0x2] =	wrdreg s24  }
0xb5: {  	[dreg:$0x3] =	wrdreg s16  }
0xb6: {  	[dreg:$0x4] =	wrdreg s18  }
0xb7: {  	[dreg:$0x5] =	wrdreg s17  }
0xb8: {  	[dreg:$0x6] =	wrdreg $0x9  }
0xb9: {  	_ =	task.clear_ibuf [dreg:s9], $0x7FFFF;
	_ =	strace $0x90000046  }
0xba: {  	s29 =	simm.s32 $0x9;
	_ =	strace $0x80000048  }
0xbb: {  	_ =	swait.ge [sflag:s29], $0x1  }
0xbc: {  	[sflag:s29] =	ssyncadd.s32 $0xFFFFFFFF  }
0xbd: {  	_ =	strace $0x90000048  }
0xbe: {  	_ =	sfence  }
0xbf: {  	s30 =	sld [smem:$0x0];
	_ =	sdelay $0x2  }
0xc0: {  	s31 =	sshll.u32 s1, $0xD;
	s1 =	sshrl.u32 s1, $0x2  }
0xc1: {  	s3 =	sand.u32 $0x4000, s31;
	s1 =	sadd.s32 s1, s30  }
0xc2: {  	s0 =	sor.u32 s3, s0;
	s1 =	sshll.u32 s1, $0x11  }
0xc3: {  	s0 =	sor.u32 s1, s0  }
0xc4: {  	s0 =	sadd.s32 $0x8F2B, s0  }
0xc5: {  	[sflag:s0] =	ssyncadd.remote.s32 $0x1  }
0xc6: {  	_ =	sfence.sel $0xFFFF  }
0xc7: {  	[dreg:$0x0] =	wrdreg $0xFFFFFFFF;
	(pc) =	sbr.abs _section_cstart, $3  }
0xc8: {  	[dreg:$0x1] =	wrdreg $0xFFFFFFFF  }
0xc9: {  	_ =	task.clear_ibuf [dreg:s9], $0x2FFFF;
	_ =	strace $0x9FFFFFFF  }
0xca: {  	(tm) =	ssettm $0x7FFFFFFF  }
0xcb: {  	_ =	shalt  }
tec
execute0_lowered:
.L_overlay_start_1:
0x0: {  	(tag) =	ssettag $0x1  }
0x1: {  	s6 =	rddreg [dreg:$0x0]  }
0x2: {  	s7 =	rddreg [dreg:$0x1]  }
0x3: {  	s0 =	srdreg.scid;
	s9 =	rddreg [dreg:$0x2]  }
0x4: {  	s2 =	stileid.u32;
	s10 =	rddreg [dreg:$0x3];
	s3 =	simm.s32 $0x1  }
0x5: {  	s17 =	simm.s32 $0x1800;
	s18 =	simm.s32 $0x1500;
	s20 =	simm.s32 $0x1780  }
0x6: {  	s21 =	simm.s32 $0x80;
	s28 =	simm.s32 $0x9A00;
	s29 =	simm.s32 $0xDA00  }
0x7: {  	s30 =	simm.s32 $0x10A00;
	s0 =	sand.u32 $0x1, s0;
	s8 =	sand.u32 $0x3, s2  }
0x8: {  	s31 =	simm.s32 $0x0;
	s1 =	sshll.u32 s0, $0x4;
	p0 =	sne.s32 s8, $0x0  }
0x9: {  	s0 =	ssub.s32 $0x2, s0;
	s24 =	smul.u32 $0x1388, s8;
	s1 =	sor.u32 s2, s1  }
0xa: {  	s2 =	simm.s32 $0x0;
	s23 =	sshrl.u32 s0, $0x1;
	p1 =	seq.s32 s1, $0x0  }
0xb: {  	s4 =	sshrl.u32 s1, $0x2;
	s5 =	smul.u32 $0x271, s1;
	[smem:$0x7FF] =	sst s2  }
0xc: {  	s0 =	ssub.s32 s0, s23;
	s25 =	sshll.u32 s1, $0x4;
	p1 =	por !p0, !p1  }
0xd: {  	s1 =	sshll.u32 s1, $0x1;
	s23 =	simm.s32 $0x1A00;
	p1 =	por !p1, !p1  }
0xe: {  	_ =	strace $0x80000047;
	s8 =	sadd.s32 s9, s25;
	s3 =	simm.s32 @!p1 $0x0  }
0xf: {  	s9 =	sadd.s32 s10, s1;
	s11 =	ssub.s32 s4, s3;
	s3 =	sadd.s32 $0x276200, s6  }
0x10: {  	s13 =	sadd.s32 s5, s6;
	s4 =	sadd.s32 $0x432800, s6;
	s12 =	smul.u32 $0x3000, s11  }
0x11: {  	v1 =	vlaneseq.u32;
	v3 =	vimm.s32 $0x0;
	s14 =	sshll.u32 s11, $0x7;
	s15 =	sshll.u32 s11, $0x1;
	s26 =	smul.u32 $0x4E20, s11  }
0x12: {  	v4 =	vadd.s32 $0x1, v1;
	v5 =	vadd.s32 $0x11, v1;
	v6 =	vor.u32 $0x10, v1;
	s5 =	simm.s32 $0x1;
	s14 =	sand.u32 $0x1FFFFF80, s14;
	s15 =	sand.u32 $0x1FFFFFFE, s15  }
.Ltmp0:
0x13: {  	v7 =	vadd.s32 $0x21, v1;
	v8 =	vor.u32 $0x20, v1;
	v9 =	vadd.s32 $0x31, v1;
	s12 =	sshrl.u32 s12, $0x3;
	s14 =	sadd.s32 s14, s6;
	(pc) =	sbr.rel .LBB2_1-.Ltmp0, $4  }
0x14: {  	v10 =	vor.u32 $0x30, v1;
	v11 =	vadd.s32 $0x41, v1;
	v12 =	vor.u32 $0x40, v1;
	s16 =	sadd.s32 s15, s6;
	s7 =	sadd.s32 s7, s15;
	s15 =	simm.s32 $0x1400  }
0x15: {  	v13 =	vadd.s32 $0x51, v1;
	v14 =	vor.u32 $0x50, v1;
	v2 =	vmov s26;
	s26 =	simm.s32 $0x1980;
	s12 =	sadd.s32 s12, s6;
	s6 =	sadd.s32 $0x271200, s13  }
0x16: {  	v15 =	vadd.s32 $0x61, v1;
	v16 =	vor.u32 $0x60, v1;
	v17 =	vadd.s32 $0x71, v1;
	s11 =	sadd.s32 $0x400, s14;
	s13 =	smax.u32 s0, $0x1;
	s14 =	simm.s32 $0x2  }
0x17: {  	v18 =	vor.u32 $0x70, v1;
	v19 =	vand.u32 $0x7, v1;
	v0 =	vmov s24;
	s10 =	sadd.s32 $0x800, s12;
	s12 =	sadd.s32 $0x200, s16;
	s16 =	simm.s32 $0x1480  }
.LBB2_8:
0x18: {  	v22 =	vshrl.u32 v22, $0x3;
	_ =	sdelay $0x2  }
0x19: {  	s0 =	sadd.s32 $0x10, s0  }
0x1a: {  	[tilespmem:s0+$0x0] =	vst v21  }
0x1b: {  	v21 =	vld.idx.msk [tilespmem:v22+s20+$0x0], $0xffff;
	_ =	sdelay $0x4  }
0x1c: {  	v21 =	vshll.u32 v21, $0x3  }
0x1d: {  	v22 =	vshll.u32 v22, $0x7;
	v21 =	vand.u32 $0x78, v21  }
0x1e: {  	v21 =	vor.u32 v22, v21  }
0x1f: {  	v21 =	vor.u32 v19, v21;
	_ =	sdelay $0x4  }
0x20: {  	v21 =	vld.idx.msk [tilespmem:v21+s28+$0x0], $0xffff;
	_ =	sdelay $0x3  }
0x21: {  	s0 =	sadd.s32 $0x10, s0  }
0x22: {  	[tilespmem:s0+$0x0] =	vst v21  }
0x23: {  	[hbm4b:s10+s2] =	stream.linear.scatter [tilespmem:s29], [sflag:$0x2], $0x3000, $0x38;
	[tilespmem:$0x10E00] =	vst v63  }
0x24: {  	_ =	swait.ge [sflag:s14], $0x3000  }
0x25: {  	[sflag:s14] =	ssyncset.done $0x0  }
0x26: {  	[sflag:s14] =	ssyncadd.s32 $0xFFFFD000  }
0x27: {  	[hbm4b:s11+s2] =	stream.linear.scatter [tilespmem:s30], [sflag:$0x2], $0x400, $0x38;
	[tilespmem:$0x10E00] =	vst v63  }
0x28: {  	_ =	swait.ge [sflag:s14], $0x400  }
0x29: {  	vm0 =	vlt.s32 v20, $0x80;
	[sflag:s14] =	ssyncset.done $0x0  }
0x2a: {  	v20 =	vnsel vm0, $0x80, v20;
	[sflag:s14] =	ssyncadd.s32 $0xFFFFFC00  }
0x2b: {  	[tilespmem:$0x1800] =	vst v20  }
0x2c: {  	[hbm4b:s12+s2] =	stream.linear.scatter [tilespmem:s17], [sflag:$0x2], $0x10, $0x38;
	[tilespmem:$0x10E00] =	vst v63  }
0x2d: {  	_ =	swait.ge [sflag:s14], $0x10  }
0x2e: {  	[sflag:s14] =	ssyncset.done $0x0  }
0x2f: {  	[sflag:s14] =	ssyncadd.s32 $0xFFFFFFF0  }
.LBB2_9:
0x30: {  	s31 =	sadd.s32 $0x1, s31  }
0x31: {  	p1 =	sne.s32 s31, s13  }
.Ltmp1:
0x32: {  	_ = 	snop;
	(pc) =	sbr.rel @!p1 .LBB2_10-.Ltmp1, $1  }
0x33: {  	_ =	sdelay $0x3  }
.LBB2_1:
0x34: {  	[tilespmem:s2], [sflag:$0x2] =	stream.linear.gather [hbm4b:s6+s2], $0x1388, $0x38;
	[tilespmem:$0x10E00] =	vst v63  }
0x35: {  	_ =	swait.ge [sflag:s14], $0x1388  }
0x36: {  	[sflag:s14] =	ssyncset.done $0x0  }
0x37: {  	[sflag:s14] =	ssyncadd.s32 $0xFFFFEC78  }
0x38: {  	[tilespmem:s15], [sflag:$0x2] =	stream.linear.gather [hbm4b:s7+s2], $0x10, $0x38;
	[tilespmem:$0x10E00] =	vst v63  }
0x39: {  	_ =	swait.ge [sflag:s14], $0x10  }
0x3a: {  	[sflag:s14] =	ssyncset.done $0x0  }
0x3b: {  	[sflag:s14] =	ssyncadd.s32 $0xFFFFFFF0  }
0x3c: {  	v20 =	vld [tilespmem:$0x1400]  }
0x3d: {  	v21 =	vld [tilespmem:s2+$0x0];
	_ =	sdelay $0x3  }
0x3e: {  	v22 =	vor.u32 s2, v1  }
0x3f: {  	vm1 =	vlt.u32 v22, $0x1388;
	vm0 =	vge.s32 v21, v20  }
0x40: {  	vm0 =	vmand vm1, vm0  }
0x41: {  	v21 =	vsel vm0, $0x1, v3  }
0x42: {  	(xrf0) =	vadd.scan.msk.s32 $0xffff, v21;
	_ =	sdelay $0x2  }
0x43: {  	v21 =	vmov s2  }
0x44: {  	v21 =	vadd.s32 $0xFFFFFFFF, v21  }
0x45: {  	v21 =	vbroadcast v21, $0x0  }
0x46: {  	v23, _, _ =	vpop (xrf0)  }
0x47: {  	v21 =	vadd.s32 v23, v21;
	(v2sf) =	vpush v23, $0xF  }
0x48: {  	vm15 =	vgt.s32 v21, $0x0  }
0x49: {  	v21 =	vnsel vm15, $0x0, v21  }
0x4a: {  	v21 =	vmin.u32 v21, $0x7F;
	_ =	sdelay $0x3  }
0x4b: {  	v22 =	vadd.s32 v0, v22  }
0x4c: {  	s1 =	simm.s32 $0x10;
	[tilespmem:v21+s16+$0x0] =	vst.idx.msk vm0, v22  }
0x4d: {  	s19 =	simm.s32 $0x20;
	s0 =	simm.s32 $0x0;
	s22 =	simm.s32 $0x10;
	v21 =	vld [tilespmem:s1+$0x0]  }
.LBB2_2:
0x4e: {  	p1 =	sne.s32 s19, $0x1380;
	_ =	sdelay $0x2  }
0x4f: {  	v22 =	vor.u32 s1, v1;
	s1 =	smov.u32 s19  }
0x50: {  	vm1 =	vlt.u32 v22, $0x1388;
	vm0 =	vge.s32 v21, v20  }
0x51: {  	vm0 =	vmand vm1, vm0;
	s24 =	spop (v2sf)  }
0x52: {  	v21 =	vsel vm0, $0x1, v3;
	s0 =	sadd.s32 s0, s24  }
0x53: {  	v23 =	vmov s0;
	(xrf0) =	vadd.scan.msk.s32 $0xffff, v21  }
0x54: {  	v21 =	vadd.s32 $0xFFFFFFFF, v23  }
0x55: {  	v21 =	vbroadcast v21, $0x0;
	_ =	sdelay $0x3  }
0x56: {  	v23, _, _ =	vpop (xrf0)  }
0x57: {  	v21 =	vadd.s32 v23, v21;
	(v2sf) =	vpush v23, $0xF  }
0x58: {  	vm1 =	vgt.s32 v21, $0x0  }
0x59: {  	v21 =	vnsel vm1, $0x0, v21  }
0x5a: {  	v21 =	vmin.u32 v21, $0x7F;
	_ =	sdelay $0x1  }
.Ltmp2:
0x5b: {  	(pc) =	sbr.rel @p1 .LBB2_2-.Ltmp2, $4  }
0x5c: {  	_ = 	snop  }
0x5d: {  	v22 =	vadd.s32 v0, v22  }
0x5e: {  	s22 =	sadd.s32 $0x10, s22;
	[tilespmem:v21+s16+$0x0] =	vst.idx.msk vm0, v22  }
0x5f: {  	s19 =	sadd.s32 $0x10, s19;
	v21 =	vld [tilespmem:s22+$0x0]  }
0x60: {  	_ =	sdelay $0x2  }
0x61: {  	v22 =	vor.u32 s1, v1  }
0x62: {  	vm1 =	vlt.u32 v22, $0x1388;
	vm0 =	vge.s32 v21, v20  }
0x63: {  	vm0 =	vmand vm1, vm0  }
0x64: {  	v20 =	vsel vm0, $0x1, v3  }
0x65: {  	(xrf0) =	vadd.scan.msk.s32 $0xffff, v20;
	_ =	sdelay $0x5  }
0x66: {  	v20, _, _ =	vpop (xrf0)  }
0x67: {  	(v2sf) =	vpush v20, $0xF;
	_ =	sdelay $0x2  }
0x68: {  	s24 =	spop (v2sf)  }
0x69: {  	s0 =	sadd.s32 s0, s24  }
0x6a: {  	v62 =	vmov s0  }
0x6b: {  	v21 =	vadd.s32 $0xFFFFFFFF, v62  }
0x6c: {  	v21 =	vbroadcast v21, $0x0;
	_ =	sdelay $0x1  }
0x6d: {  	v20 =	vadd.s32 v20, v21  }
0x6e: {  	vm15 =	vgt.s32 v20, $0x0  }
0x6f: {  	v20 =	vnsel vm15, $0x0, v20  }
0x70: {  	v20 =	vmin.u32 v20, $0x7F;
	_ =	sdelay $0x2  }
0x71: {  	s25 =	spop (v2sf)  }
0x72: {  	v63 =	vadd.s32 v0, v22;
	s0 =	sadd.s32 s0, s25  }
0x73: {  	[tilespmem:v20+s16+$0x0] =	vst.idx.msk vm0, v63;
	v20 =	vmov s0  }
0x74: {  	[tilespmem:$0x1800] =	vst v20  }
0x75: {  	[hbm4b:s8+s2] =	stream.linear.scatter [tilespmem:s16], [sflag:$0x2], $0x80, $0x38;
	[tilespmem:$0x10E00] =	vst v63  }
0x76: {  	_ =	swait.ge [sflag:s14], $0x80  }
0x77: {  	[sflag:s14] =	ssyncset.done $0x0  }
0x78: {  	[sflag:s14] =	ssyncadd.s32 $0xFFFFFF80  }
0x79: {  	[hbm4b:s9+s2] =	stream.linear.scatter [tilespmem:s17], [sflag:$0x2], $0x10, $0x38;
	[tilespmem:$0x10E00] =	vst v63  }
.Ltmp3:
0x7a: {  	_ =	swait.ge [sflag:s14], $0x10;
	(pc) =	sbr.rel @p0 .LBB2_9-.Ltmp3, $3  }
0x7b: {  	[sflag:s14] =	ssyncset.done $0x0  }
0x7c: {  	[sflag:s14] =	ssyncadd.s32 $0xFFFFFFF0  }
0x7d: {  	[bflag:$0x0] =	sbarrier.arrive $0xFFFF;
	_ =	sdelay $0x1  }
0x7e: {  	s1 =	simm.s32 $0x0  }
0x7f: {  	[tilespmem:s18], [sflag:$0x2] =	stream.linear.gather [hbm4b:s8+s1], $0x200, $0x38;
	[tilespmem:$0x10E00] =	vst v63  }
0x80: {  	_ =	swait.ge [sflag:s14], $0x200  }
0x81: {  	[sflag:s14] =	ssyncset.done $0x0  }
0x82: {  	s0 =	simm.s32 $0x1700;
	[sflag:s14] =	ssyncadd.s32 $0xFFFFFE00  }
0x83: {  	[tilespmem:s0], [sflag:$0x2] =	stream.linear.gather [hbm4b:s9+s1], $0x40, $0x38;
	[tilespmem:$0x10E00] =	vst v63  }
0x84: {  	_ =	swait.ge [sflag:s14], $0x40  }
0x85: {  	[sflag:s14] =	ssyncset.done $0x0  }
0x86: {  	[sflag:s14] =	ssyncadd.s32 $0xFFFFFFC0  }
0x87: {  	v22 =	vld [tilespmem:$0x1700]  }
0x88: {  	v21 =	vld [tilespmem:$0x1710]  }
0x89: {  	v23 =	vld [tilespmem:$0x1720];
	_ =	sdelay $0x3  }
0x8a: {  	v25 =	vadd.s32 v22, v21  }
0x8b: {  	vm0 =	vlt.s32 v22, v4;
	v24 =	vadd.s32 v23, v25;
	vm1 =	vlt.s32 v25, v4  }
0x8c: {  	v20 =	vsel vm0, $0x1, v3;
	v26 =	vsel vm1, $0x1, v3;
	vm15 =	vlt.s32 v24, v4  }
0x8d: {  	v20 =	vadd.s32 v20, v26;
	v26 =	vsel vm15, $0x1, v3  }
0x8e: {  	v28 =	vsub.s32 v1, v21;
	v26 =	vadd.s32 v26, v20  }
0x8f: {  	v29 =	vld [tilespmem:$0x1730];
	vm8 =	vlt.s32 v22, v5;
	vm4 =	veq.s32 v26, $0x0;
	vm5 =	vgt.u32 v26, $0x2  }
0x90: {  	vm6 =	vgt.u32 v26, $0x1;
	v20 =	vsel vm4, $0x0, v22;
	v27 =	vnsel vm5, $0x0, v23  }
0x91: {  	vm2 =	vlt.s32 v25, v5;
	v28 =	vsel vm6, v28, v1;
	v20 =	vadd.s32 v27, v20  }
0x92: {  	v57 =	vsel vm2, $0x1, v3;
	vm9 =	vlt.s32 v24, v5;
	v20 =	vsub.s32 v28, v20  }
0x93: {  	v58 =	vsel vm9, $0x1, v3;
	v26 =	vshll.u32 v26, $0x7;
	vm7 =	vgt.s32 v20, $0x0  }
0x94: {  	v27 =	vsel vm8, $0x1, v3;
	v30 =	vnsel vm7, $0x0, v20;
	v20 =	vadd.s32 v29, v24  }
0x95: {  	v27 =	vadd.s32 v27, v57;
	v59 =	vmin.u32 v30, $0x7F;
	vm10 =	vgt.s32 v20, v1  }
0x96: {  	v27 =	vadd.s32 v58, v27;
	v26 =	vor.u32 v26, v59  }
0x97: {  	v62 =	vsub.s32 v6, v21;
	vm11 =	veq.s32 v27, $0x0;
	vm12 =	vgt.u32 v27, $0x2  }
0x98: {  	vm13 =	vgt.u32 v27, $0x1;
	v60 =	vsel vm11, $0x0, v22;
	v61 =	vnsel vm12, $0x0, v23  }
0x99: {  	vm14 =	vlt.s32 v22, v7;
	v30 =	vsel vm13, v62, v6;
	v28 =	vadd.s32 v61, v60  }
0x9a: {  	v63 =	vsel vm14, $0x1, v3;
	vm15 =	vlt.s32 v25, v7;
	v28 =	vsub.s32 v30, v28  }
0x9b: {  	v33 =	vsel vm15, $0x1, v3;
	vm5 =	vlt.s32 v24, v7;
	vm4 =	vgt.s32 v28, $0x0;
	v26 =	vld.idx.msk [tilespmem:v26+s18+$0x0], vm10  }
0x9c: {  	v34 =	vsel vm5, $0x1, v3;
	v29 =	vadd.s32 v63, v33;
	v28 =	vnsel vm4, $0x0, v28  }
0x9d: {  	v27 =	vshll.u32 v27, $0x7;
	vm6 =	vgt.s32 v20, v6;
	v28 =	vmin.u32 v28, $0x7F  }
0x9e: {  	v31 =	vsub.s32 v8, v21;
	v29 =	vadd.s32 v34, v29;
	v27 =	vor.u32 v27, v28  }
0x9f: {  	vm7 =	veq.s32 v29, $0x0;
	vm8 =	vgt.u32 v29, $0x2;
	vm9 =	vgt.u32 v29, $0x1  }
0xa0: {  	v35 =	vsel vm7, $0x0, v22;
	v36 =	vnsel vm8, $0x0, v23;
	v26 =	vnsel vm10, $0x0, v26  }
0xa1: {  	v31 =	vsel vm9, v31, v8;
	v28 =	vadd.s32 v36, v35;
	v26 =	vadd.s32 v2, v26  }
0xa2: {  	v28 =	vsub.s32 v31, v28;
	[tilespmem:$0x1780] =	vst v26  }
0xa3: {  	vm10 =	vgt.s32 v28, $0x0;
	v26 =	vld.idx.msk [tilespmem:v27+s18+$0x0], vm6  }
0xa4: {  	v27 =	vnsel vm10, $0x0, v28  }
0xa5: {  	vm13 =	vgt.s32 v20, v8;
	v29 =	vshll.u32 v29, $0x7;
	v27 =	vmin.u32 v27, $0x7F  }
0xa6: {  	v27 =	vor.u32 v29, v27  }
0xa7: {  	vm14 =	vlt.s32 v24, v9;
	vm11 =	vlt.s32 v22, v9;
	vm12 =	vlt.s32 v25, v9  }
0xa8: {  	v37 =	vsel vm11, $0x1, v3;
	v38 =	vsel vm12, $0x1, v3;
	v26 =	vnsel vm6, $0x0, v26  }
0xa9: {  	v39 =	vsel vm14, $0x1, v3;
	v28 =	vadd.s32 v37, v38;
	v26 =	vadd.s32 v2, v26  }
0xaa: {  	v28 =	vadd.s32 v39, v28;
	[tilespmem:$0x1790] =	vst v26  }
0xab: {  	v42 =	vsub.s32 v10, v21;
	vm15 =	veq.s32 v28, $0x0;
	vm4 =	vgt.u32 v28, $0x2;
	v27 =	vld.idx.msk [tilespmem:v27+s18+$0x0], vm13  }
0xac: {  	vm5 =	vgt.u32 v28, $0x1;
	v40 =	vsel vm15, $0x0, v22;
	v41 =	vnsel vm4, $0x0, v23  }
0xad: {  	vm7 =	vgt.s32 v20, v10;
	v29 =	vadd.s32 v41, v40;
	v26 =	vsel vm5, v42, v10  }
0xae: {  	vm8 =	vlt.s32 v22, v11;
	vm9 =	vlt.s32 v25, v11;
	v26 =	vsub.s32 v26, v29  }
0xaf: {  	v43 =	vsel vm8, $0x1, v3;
	v44 =	vsel vm9, $0x1, v3;
	vm6 =	vgt.s32 v26, $0x0  }
0xb0: {  	vm10 =	vlt.s32 v24, v11;
	v26 =	vnsel vm6, $0x0, v26;
	v27 =	vnsel vm13, $0x0, v27  }
0xb1: {  	v28 =	vshll.u32 v28, $0x7;
	v26 =	vmin.u32 v26, $0x7F;
	v27 =	vadd.s32 v2, v27  }
0xb2: {  	v45 =	vsel vm10, $0x1, v3;
	v26 =	vor.u32 v28, v26;
	[tilespmem:$0x17A0] =	vst v27;
	v27 =	vadd.s32 v43, v44  }
0xb3: {  	v48 =	vsub.s32 v12, v21;
	v54 =	vsub.s32 v14, v21;
	v27 =	vadd.s32 v45, v27  }
0xb4: {  	v59 =	vsub.s32 v16, v21;
	vm11 =	veq.s32 v27, $0x0;
	vm12 =	vgt.u32 v27, $0x2  }
0xb5: {  	vm13 =	vgt.u32 v27, $0x1;
	v46 =	vsel vm11, $0x0, v22;
	v47 =	vnsel vm12, $0x0, v23  }
0xb6: {  	vm15 =	vlt.s32 v22, v13;
	v30 =	vsel vm13, v48, v12;
	v28 =	vadd.s32 v47, v46  }
0xb7: {  	vm4 =	vlt.s32 v25, v13;
	v49 =	vsel vm15, $0x1, v3;
	v26 =	vld.idx.msk [tilespmem:v26+s18+$0x0], vm7;
	v28 =	vsub.s32 v30, v28  }
0xb8: {  	v50 =	vsel vm4, $0x1, v3;
	vm5 =	vlt.s32 v24, v13;
	vm14 =	vgt.s32 v28, $0x0  }
0xb9: {  	v29 =	vadd.s32 v49, v50;
	v51 =	vsel vm5, $0x1, v3;
	v28 =	vnsel vm14, $0x0, v28  }
0xba: {  	vm6 =	vgt.s32 v20, v12;
	v27 =	vshll.u32 v27, $0x7;
	v28 =	vmin.u32 v28, $0x7F  }
0xbb: {  	vm10 =	vlt.s32 v22, v15;
	v29 =	vadd.s32 v51, v29;
	v27 =	vor.u32 v27, v28  }
0xbc: {  	vm8 =	vgt.u32 v29, $0x2;
	v26 =	vnsel vm7, $0x0, v26;
	vm7 =	veq.s32 v29, $0x0  }
0xbd: {  	vm9 =	vgt.u32 v29, $0x1;
	v53 =	vnsel vm8, $0x0, v23;
	v52 =	vsel vm7, $0x0, v22  }
0xbe: {  	v31 =	vsel vm9, v54, v14;
	v26 =	vadd.s32 v2, v26;
	v28 =	vadd.s32 v53, v52  }
0xbf: {  	v55 =	vsel vm10, $0x1, v3;
	vm13 =	vlt.s32 v24, v15;
	[tilespmem:$0x17B0] =	vst v26;
	v28 =	vsub.s32 v31, v28  }
0xc0: {  	vm11 =	vlt.s32 v25, v15;
	v56 =	vsel vm13, $0x1, v3;
	vm12 =	vgt.s32 v28, $0x0;
	v27 =	vld.idx.msk [tilespmem:v27+s18+$0x0], vm6  }
0xc1: {  	vm14 =	vgt.s32 v20, v14;
	v26 =	vsel vm11, $0x1, v3;
	v28 =	vnsel vm12, $0x0, v28  }
0xc2: {  	v29 =	vshll.u32 v29, $0x7;
	v26 =	vadd.s32 v55, v26;
	v28 =	vmin.u32 v28, $0x7F  }
0xc3: {  	vm10 =	vgt.s32 v20, v16;
	v26 =	vadd.s32 v56, v26;
	v28 =	vor.u32 v29, v28  }
0xc4: {  	vm15 =	veq.s32 v26, $0x0;
	vm4 =	vgt.u32 v26, $0x2;
	vm5 =	vgt.u32 v26, $0x1  }
0xc5: {  	v57 =	vsel vm15, $0x0, v22;
	v58 =	vnsel vm4, $0x0, v23;
	v27 =	vnsel vm6, $0x0, v27  }
0xc6: {  	v60 =	vsel vm5, v59, v16;
	v29 =	vadd.s32 v58, v57;
	v27 =	vadd.s32 v2, v27  }
0xc7: {  	vm8 =	vlt.s32 v25, v17;
	vm9 =	vlt.s32 v24, v17;
	v29 =	vsub.s32 v60, v29;
	[tilespmem:$0x17C0] =	vst v27  }
0xc8: {  	v62 =	vsel vm8, $0x1, v3;
	vm7 =	vlt.s32 v22, v17;
	vm6 =	vgt.s32 v29, $0x0;
	v27 =	vld.idx.msk [tilespmem:v28+s18+$0x0], vm14  }
0xc9: {  	v63 =	vsel vm9, $0x1, v3;
	v25 =	vsel vm7, $0x1, v3;
	v61 =	vnsel vm6, $0x0, v29  }
0xca: {  	v25 =	vadd.s32 v25, v62;
	v26 =	vshll.u32 v26, $0x7;
	v24 =	vmin.u32 v61, $0x7F  }
0xcb: {  	v21 =	vsub.s32 v18, v21;
	v25 =	vadd.s32 v63, v25;
	v24 =	vor.u32 v26, v24  }
0xcc: {  	vm11 =	veq.s32 v25, $0x0;
	vm12 =	vgt.u32 v25, $0x2;
	vm13 =	vgt.u32 v25, $0x1  }
0xcd: {  	v22 =	vsel vm11, $0x0, v22;
	v23 =	vnsel vm12, $0x0, v23;
	v26 =	vnsel vm14, $0x0, v27  }
0xce: {  	v21 =	vsel vm13, v21, v18;
	v22 =	vadd.s32 v23, v22;
	v26 =	vadd.s32 v2, v26  }
0xcf: {  	v21 =	vsub.s32 v21, v22;
	[tilespmem:$0x17D0] =	vst v26  }
0xd0: {  	vm14 =	vgt.s32 v21, $0x0;
	v22 =	vld.idx.msk [tilespmem:v24+s18+$0x0], vm10  }
0xd1: {  	v21 =	vnsel vm14, $0x0, v21  }
0xd2: {  	vm15 =	vgt.s32 v20, v18;
	v23 =	vshll.u32 v25, $0x7;
	v21 =	vmin.u32 v21, $0x7F  }
0xd3: {  	v21 =	vor.u32 v23, v21;
	_ =	sdelay $0x1  }
0xd4: {  	v22 =	vnsel vm10, $0x0, v22  }
0xd5: {  	v22 =	vadd.s32 v2, v22  }
0xd6: {  	[tilespmem:$0x17E0] =	vst v22  }
0xd7: {  	v21 =	vld.idx.msk [tilespmem:v21+s18+$0x0], vm15;
	_ =	sdelay $0x4  }
0xd8: {  	v21 =	vnsel vm15, $0x0, v21  }
0xd9: {  	v21 =	vadd.s32 v2, v21  }
0xda: {  	[tilespmem:$0x17F0] =	vst v21  }
0xdb: {  	v21 =	vld.idx.msk [tilespmem:v1+s20+$0x0], $0xffff;
	_ =	sdelay $0x4  }
0xdc: {  	v21 =	vmul.u32 $0x5B, v21;
	_ =	sdelay $0x1  }
0xdd: {  	v21 =	vshra.s32 v21, $0x7  }
0xde: {  	vm4 =	vlt.s32 v21, $0x1BC54  }
0xdf: {  	v22 =	vnsel vm4, $0x1BC54, v21  }
0xe0: {  	[tilespmem:$0x1880] =	vst v21;
	v21 =	vadd.s32 $0x1, v22  }
0xe1: {  	[tilespmem:$0x1900] =	vst v21  }
0xe2: {  	v21 =	vld.idx.msk [tilespmem:v6+s20+$0x0], $0xffff;
	_ =	sdelay $0x4  }
0xe3: {  	v21 =	vmul.u32 $0x5B, v21;
	_ =	sdelay $0x1  }
0xe4: {  	v21 =	vshra.s32 v21, $0x7  }
0xe5: {  	vm5 =	vlt.s32 v21, $0x1BC54  }
0xe6: {  	v22 =	vnsel vm5, $0x1BC54, v21  }
0xe7: {  	[tilespmem:$0x1890] =	vst v21;
	v21 =	vadd.s32 $0x1, v22  }
0xe8: {  	[tilespmem:$0x1910] =	vst v21  }
0xe9: {  	v21 =	vld.idx.msk [tilespmem:v8+s20+$0x0], $0xffff;
	_ =	sdelay $0x4  }
0xea: {  	v21 =	vmul.u32 $0x5B, v21;
	_ =	sdelay $0x1  }
0xeb: {  	v21 =	vshra.s32 v21, $0x7  }
0xec: {  	vm6 =	vlt.s32 v21, $0x1BC54  }
0xed: {  	v22 =	vnsel vm6, $0x1BC54, v21  }
0xee: {  	[tilespmem:$0x18A0] =	vst v21;
	v21 =	vadd.s32 $0x1, v22  }
0xef: {  	[tilespmem:$0x1920] =	vst v21  }
0xf0: {  	v21 =	vld.idx.msk [tilespmem:v10+s20+$0x0], $0xffff;
	_ =	sdelay $0x4  }
0xf1: {  	v21 =	vmul.u32 $0x5B, v21;
	_ =	sdelay $0x1  }
0xf2: {  	v21 =	vshra.s32 v21, $0x7  }
0xf3: {  	vm7 =	vlt.s32 v21, $0x1BC54  }
0xf4: {  	v22 =	vnsel vm7, $0x1BC54, v21  }
0xf5: {  	[tilespmem:$0x18B0] =	vst v21;
	v21 =	vadd.s32 $0x1, v22  }
0xf6: {  	[tilespmem:$0x1930] =	vst v21  }
0xf7: {  	v21 =	vld.idx.msk [tilespmem:v12+s20+$0x0], $0xffff;
	_ =	sdelay $0x4  }
0xf8: {  	v21 =	vmul.u32 $0x5B, v21;
	_ =	sdelay $0x1  }
0xf9: {  	v21 =	vshra.s32 v21, $0x7  }
0xfa: {  	vm8 =	vlt.s32 v21, $0x1BC54  }
0xfb: {  	v22 =	vnsel vm8, $0x1BC54, v21  }
0xfc: {  	[tilespmem:$0x18C0] =	vst v21;
	v21 =	vadd.s32 $0x1, v22  }
0xfd: {  	[tilespmem:$0x1940] =	vst v21  }
0xfe: {  	v21 =	vld.idx.msk [tilespmem:v14+s20+$0x0], $0xffff;
	_ =	sdelay $0x4  }
0xff: {  	v21 =	vmul.u32 $0x5B, v21;
	_ =	sdelay $0x1  }
0x100: {  	v21 =	vshra.s32 v21, $0x7  }
0x101: {  	vm9 =	vlt.s32 v21, $0x1BC54  }
0x102: {  	v22 =	vnsel vm9, $0x1BC54, v21  }
0x103: {  	[tilespmem:$0x18D0] =	vst v21;
	v21 =	vadd.s32 $0x1, v22  }
0x104: {  	[tilespmem:$0x1950] =	vst v21  }
0x105: {  	v21 =	vld.idx.msk [tilespmem:v16+s20+$0x0], $0xffff;
	_ =	sdelay $0x4  }
0x106: {  	v21 =	vmul.u32 $0x5B, v21;
	_ =	sdelay $0x1  }
0x107: {  	v21 =	vshra.s32 v21, $0x7  }
0x108: {  	vm10 =	vlt.s32 v21, $0x1BC54  }
0x109: {  	v22 =	vnsel vm10, $0x1BC54, v21  }
0x10a: {  	[tilespmem:$0x18E0] =	vst v21;
	v21 =	vadd.s32 $0x1, v22  }
0x10b: {  	[tilespmem:$0x1960] =	vst v21  }
0x10c: {  	v21 =	vld.idx.msk [tilespmem:v18+s20+$0x0], $0xffff;
	_ =	sdelay $0x4  }
0x10d: {  	v21 =	vmul.u32 $0x5B, v21;
	_ =	sdelay $0x1  }
0x10e: {  	v21 =	vshra.s32 v21, $0x7  }
0x10f: {  	vm11 =	vlt.s32 v21, $0x1BC54  }
0x110: {  	v22 =	vnsel vm11, $0x1BC54, v21  }
0x111: {  	[tilespmem:$0x18F0] =	vst v21;
	v21 =	vadd.s32 $0x1, v22  }
0x112: {  	[tilespmem:$0x1970] =	vst v21  }
0x113: {  	v21 =	vld.idx.msk [tilespmem:v1+s20+$0x0], $0xffff;
	_ =	sdelay $0x4  }
0x114: {  	v21 =	vshra.s32 v21, $0x4  }
0x115: {  	[tilespmem:$0x1980] =	vst v21  }
0x116: {  	v21 =	vld.idx.msk [tilespmem:v6+s20+$0x0], $0xffff;
	_ =	sdelay $0x4  }
0x117: {  	v21 =	vshra.s32 v21, $0x4  }
0x118: {  	[tilespmem:$0x1990] =	vst v21  }
0x119: {  	v21 =	vld.idx.msk [tilespmem:v8+s20+$0x0], $0xffff;
	_ =	sdelay $0x4  }
0x11a: {  	v21 =	vshra.s32 v21, $0x4  }
0x11b: {  	[tilespmem:$0x19A0] =	vst v21  }
0x11c: {  	v21 =	vld.idx.msk [tilespmem:v10+s20+$0x0], $0xffff;
	_ =	sdelay $0x4  }
0x11d: {  	v21 =	vshra.s32 v21, $0x4  }
0x11e: {  	[tilespmem:$0x19B0] =	vst v21  }
0x11f: {  	v21 =	vld.idx.msk [tilespmem:v12+s20+$0x0], $0xffff;
	_ =	sdelay $0x4  }
0x120: {  	v21 =	vshra.s32 v21, $0x4  }
0x121: {  	[tilespmem:$0x19C0] =	vst v21  }
0x122: {  	v21 =	vld.idx.msk [tilespmem:v14+s20+$0x0], $0xffff;
	_ =	sdelay $0x4  }
0x123: {  	v21 =	vshra.s32 v21, $0x4  }
0x124: {  	[tilespmem:$0x19D0] =	vst v21  }
0x125: {  	v21 =	vld.idx.msk [tilespmem:v16+s20+$0x0], $0xffff;
	_ =	sdelay $0x4  }
0x126: {  	v21 =	vshra.s32 v21, $0x4  }
0x127: {  	[tilespmem:$0x19E0] =	vst v21  }
0x128: {  	v21 =	vld.idx.msk [tilespmem:v18+s20+$0x0], $0xffff;
	_ =	sdelay $0x3  }
0x129: {  	v22 =	vor.u32 s1, v1  }
0x12a: {  	v23 =	vmulhi.u32 $0xAAAAAAAB, v22;
	v21 =	vshra.s32 v21, $0x4  }
0x12b: {  	s24 =	simm.s32 $0x1880;
	[tilespmem:$0x19F0] =	vst v21  }
0x12c: {  	v21 =	vshrl.u32 v23, $0x6;
	[tilespmem:s23], [sflag:$0x1] =	stream.indirect.gather [hbm4b:s3+s21], $0x80, s24, s21, $0xb8;
	[tilespmem:$0x10E00] =	vst v63  }
0x12d: {  	v21 =	vmul.u32 $0x60, v21;
	_ =	swait.ge [sflag:s5], $0x4000  }
0x12e: {  	[sflag:s5] =	ssyncset.done $0x0  }
0x12f: {  	s25 =	simm.s32 $0x1900;
	s19 =	simm.s32 $0x5A00;
	v23 =	vmov s1;
	v21 =	vsub.s32 v22, v21;
	[sflag:s5] =	ssyncadd.s32 $0xFFFFC000  }
0x130: {  	vm12 =	veq.s32 v23, v1;
	v22 =	vmulhi.u32 $0xAAAAAAAB, v23;
	vm13 =	vne.s32 v21, $0x0;
	[tilespmem:s19], [sflag:$0x1] =	stream.indirect.gather [hbm4b:s3+s21], $0x80, s25, s21, $0xb8;
	[tilespmem:$0x10E00] =	vst v63  }
0x131: {  	vm0 =	vmand vm12, vm13;
	_ =	swait.ge [sflag:s5], $0x4000  }
0x132: {  	v22 =	vshrl.u32 v22, $0x6;
	v23 =	vsel vm0, $0xFFFFFFFF, v3;
	[sflag:s5] =	ssyncset.done $0x0  }
0x133: {  	v22 =	vadd.s32 v23, v22;
	[sflag:s5] =	ssyncadd.s32 $0xFFFFC000  }
0x134: {  	[tilespmem:s28], [sflag:$0x1] =	stream.indirect.gather [hbm4b:s4+s21], $0x80, s26, s21, $0xb8;
	[tilespmem:$0x10E00] =	vst v63  }
0x135: {  	_ =	swait.ge [sflag:s5], $0x4000  }
0x136: {  	[sflag:s5] =	ssyncset.done $0x0  }
0x137: {  	[sflag:s5] =	ssyncadd.s32 $0xFFFFC000  }
0x138: {  	v23 =	vld.idx.msk [tilespmem:v22+s20+$0x0], $0xffff;
	_ =	sdelay $0x4  }
0x139: {  	v23 =	vmul.u32 $0x5B, v23;
	_ =	sdelay $0x1  }
0x13a: {  	s0 =	simm.s32 $0x10;
	v23 =	vand.u32 $0x7F, v23  }
0x13b: {  	v21 =	vadd.s32 v21, v23;
	v23 =	vor.u32 s0, v1  }
0x13c: {  	v24 =	vand.u32 $0x80, v21;
	v25 =	vmulhi.u32 $0xAAAAAAAB, v23  }
0x13d: {  	v22 =	vadd.s32 v22, v24  }
0x13e: {  	v21 =	vand.u32 $0x7F, v21;
	v22 =	vshll.u32 v22, $0x7;
	v24 =	vshrl.u32 v25, $0x6  }
0x13f: {  	v21 =	vor.u32 v21, v22;
	v22 =	vmul.u32 $0x60, v24;
	_ =	sdelay $0x1  }
0x140: {  	v24 =	vmov s0;
	v22 =	vsub.s32 v23, v22  }
0x141: {  	vm14 =	veq.s32 v24, v1;
	v23 =	vmulhi.u32 $0xAAAAAAAB, v24;
	vm15 =	vne.s32 v22, $0x0  }
0x142: {  	vm0 =	vmand vm14, vm15  }
0x143: {  	v24 =	vld.idx.msk [tilespmem:v21+s23+$0x0], $0xffff;
	v21 =	vshrl.u32 v23, $0x6;
	v23 =	vsel vm0, $0xFFFFFFFF, v3  }
0x144: {  	v21 =	vadd.s32 v23, v21;
	_ =	sdelay $0x2  }
0x145: {  	s22 =	simm.s32 $0xDA00  }
0x146: {  	[tilespmem:s22+$0x0] =	vst v24  }
0x147: {  	v23 =	vld.idx.msk [tilespmem:v21+s20+$0x0], $0xffff;
	_ =	sdelay $0x4  }
0x148: {  	v23 =	vmul.u32 $0x5B, v23;
	_ =	sdelay $0x1  }
0x149: {  	v23 =	vand.u32 $0x7F, v23  }
0x14a: {  	s19 =	simm.s32 $0x20;
	v23 =	vadd.s32 v22, v23  }
0x14b: {  	s24 =	simm.s32 $0x20;
	s25 =	simm.s32 $0x30;
	v22 =	vor.u32 s19, v1;
	v24 =	vand.u32 $0x80, v23  }
.LBB2_5:
0x14c: {  	p1 =	sne.s32 s25, $0x2FF0;
	v25 =	vmulhi.u32 $0xAAAAAAAB, v22;
	v21 =	vadd.s32 v21, v24  }
0x14d: {  	v23 =	vand.u32 $0x7F, v23;
	v21 =	vshll.u32 v21, $0x7  }
0x14e: {  	v24 =	vshrl.u32 v25, $0x6;
	v21 =	vor.u32 v23, v21  }
0x14f: {  	v23 =	vmul.u32 $0x60, v24;
	_ =	sdelay $0x1  }
0x150: {  	v24 =	vmov s24;
	s24 =	smov.u32 s25;
	v22 =	vsub.s32 v22, v23  }
0x151: {  	vm0 =	veq.s32 v24, v1;
	v23 =	vmulhi.u32 $0xAAAAAAAB, v24;
	vm1 =	vne.s32 v22, $0x0  }
0x152: {  	vm0 =	vmand vm0, vm1;
	v24 =	vld.idx.msk [tilespmem:v21+s23+$0x0], $0xffff  }
0x153: {  	v21 =	vshrl.u32 v23, $0x6;
	v23 =	vsel vm0, $0xFFFFFFFF, v3  }
0x154: {  	v21 =	vadd.s32 v23, v21;
	_ =	sdelay $0x2  }
0x155: {  	s22 =	sadd.s32 $0x10, s22  }
0x156: {  	[tilespmem:s22+$0x0] =	vst v24  }
0x157: {  	v23 =	vld.idx.msk [tilespmem:v21+s20+$0x0], $0xffff;
	_ =	sdelay $0x5  }
.Ltmp4:
0x158: {  	v23 =	vmul.u32 $0x5B, v23;
	(pc) =	sbr.rel @p1 .LBB2_5-.Ltmp4, $4  }
0x159: {  	_ = 	snop  }
0x15a: {  	v23 =	vand.u32 $0x7F, v23  }
0x15b: {  	v23 =	vadd.s32 v22, v23  }
0x15c: {  	s25 =	sadd.s32 $0x10, s25;
	v22 =	vor.u32 s24, v1;
	v24 =	vand.u32 $0x80, v23  }
0x15d: {  	v25 =	vmulhi.u32 $0xAAAAAAAB, v22  }
0x15e: {  	v21 =	vadd.s32 v21, v24  }
0x15f: {  	v23 =	vand.u32 $0x7F, v23;
	v21 =	vshll.u32 v21, $0x7;
	v61 =	vshrl.u32 v25, $0x6  }
0x160: {  	v21 =	vor.u32 v23, v21;
	v23 =	vmul.u32 $0x60, v61;
	_ =	sdelay $0x1  }
0x161: {  	v62 =	vmov s24;
	v22 =	vsub.s32 v22, v23  }
0x162: {  	vm0 =	veq.s32 v62, v1;
	v23 =	vmulhi.u32 $0xAAAAAAAB, v62;
	vm1 =	vne.s32 v22, $0x0  }
0x163: {  	vm0 =	vmand vm0, vm1  }
0x164: {  	v21 =	vld.idx.msk [tilespmem:v21+s23+$0x0], $0xffff;
	v23 =	vshrl.u32 v23, $0x6;
	v63 =	vsel vm0, $0xFFFFFFFF, v3  }
0x165: {  	v23 =	vadd.s32 v63, v23;
	_ =	sdelay $0x2  }
0x166: {  	s22 =	sadd.s32 $0x10, s22  }
0x167: {  	[tilespmem:s22+$0x0] =	vst v21  }
0x168: {  	v21 =	vld.idx.msk [tilespmem:v23+s20+$0x0], $0xffff;
	_ =	sdelay $0x4  }
0x169: {  	v21 =	vmul.u32 $0x5B, v21;
	_ =	sdelay $0x1  }
0x16a: {  	v21 =	vand.u32 $0x7F, v21  }
0x16b: {  	v21 =	vadd.s32 v22, v21  }
0x16c: {  	v22 =	vand.u32 $0x80, v21  }
0x16d: {  	v22 =	vadd.s32 v23, v22  }
0x16e: {  	v21 =	vand.u32 $0x7F, v21;
	v22 =	vshll.u32 v22, $0x7  }
0x16f: {  	v21 =	vor.u32 v21, v22;
	_ =	sdelay $0x4  }
0x170: {  	v22 =	vor.u32 s1, v1;
	v21 =	vld.idx.msk [tilespmem:v21+s23+$0x0], $0xffff  }
0x171: {  	v22 =	vshrl.u32 v22, $0x3;
	_ =	sdelay $0x2  }
0x172: {  	s25 =	sadd.s32 $0x10, s22  }
0x173: {  	[tilespmem:s25+$0x0] =	vst v21  }
0x174: {  	v21 =	vld.idx.msk [tilespmem:v22+s20+$0x0], $0xffff;
	_ =	sdelay $0x4  }
0x175: {  	v21 =	vshll.u32 v21, $0x3  }
0x176: {  	v22 =	vshll.u32 v22, $0x7;
	v21 =	vand.u32 $0x78, v21  }
0x177: {  	v21 =	vor.u32 v22, v21  }
0x178: {  	v21 =	vor.u32 v19, v21;
	_ =	sdelay $0x4  }
0x179: {  	v22 =	vor.u32 s0, v1;
	v21 =	vld.idx.msk [tilespmem:v21+s28+$0x0], $0xffff  }
0x17a: {  	v22 =	vshrl.u32 v22, $0x3;
	_ =	sdelay $0x2  }
0x17b: {  	s0 =	simm.s32 $0x10A00  }
0x17c: {  	[tilespmem:s0+$0x0] =	vst v21  }
0x17d: {  	v21 =	vld.idx.msk [tilespmem:v22+s20+$0x0], $0xffff;
	_ =	sdelay $0x4  }
0x17e: {  	v21 =	vshll.u32 v21, $0x3  }
0x17f: {  	v22 =	vshll.u32 v22, $0x7;
	v21 =	vand.u32 $0x78, v21  }
0x180: {  	v21 =	vor.u32 v22, v21  }
0x181: {  	v21 =	vor.u32 v19, v21;
	_ =	sdelay $0x4  }
0x182: {  	s1 =	simm.s32 $0x30;
	v22 =	vor.u32 s19, v1;
	v21 =	vld.idx.msk [tilespmem:v21+s28+$0x0], $0xffff  }
.LBB2_7:
0x183: {  	p1 =	sne.s32 s1, $0x3F0;
	v22 =	vshrl.u32 v22, $0x3;
	_ =	sdelay $0x2  }
0x184: {  	s0 =	sadd.s32 $0x10, s0  }
0x185: {  	[tilespmem:s0+$0x0] =	vst v21  }
0x186: {  	v21 =	vld.idx.msk [tilespmem:v22+s20+$0x0], $0xffff;
	_ =	sdelay $0x5  }
0x187: {  	v21 =	vshll.u32 v21, $0x3  }
0x188: {  	v22 =	vshll.u32 v22, $0x7;
	v21 =	vand.u32 $0x78, v21  }
0x189: {  	v21 =	vor.u32 v22, v21  }
0x18a: {  	v21 =	vor.u32 v19, v21;
	_ =	sdelay $0x1  }
.Ltmp5:
0x18b: {  	(pc) =	sbr.rel @p1 .LBB2_7-.Ltmp5, $3  }
0x18c: {  	_ =	sdelay $0x1  }
0x18d: {  	v21 =	vld.idx.msk [tilespmem:v21+s28+$0x0], $0xffff  }
0x18e: {  	v22 =	vor.u32 s1, v1;
	s1 =	sadd.s32 $0x10, s1  }
.Ltmp6:
0x18f: {  	_ = 	snop;
	(pc) =	sbr.rel .LBB2_8-.Ltmp6, $1  }
0x190: {  	_ =	sdelay $0x3  }
.LBB2_10:
0x191: {  	_ =	sfence.sel $0x180000  }
0x192: {  	[bflag:$0x0] =	sbarrier.arrive $0xFFFF  }
0x193: {  	_ =	strace $0x90000047  }
0x194: {  	s0 =	stileid.u32;
	[bflag:$0x2] =	sbarrier.arrive $0xFFFF  }
0x195: {  	p0 =	sne.s32 s0, $0x0;
	s0 =	rddreg [dreg:$0x4]  }
0x196: {  	s0 =	sadd.s32 @!p0 $0x100000, s0  }
0x197: {  	[sflag:s0] =	ssyncadd.tile.s32 @!p0 $0x1;
	_ =	shalt  }
.Lfunc_end2:
_tile_overlayer_lowered:
.L_overlay_start_2:
0x198: {  	(tag) =	ssettag $0x2  }
0x199: {  	s0 =	rddreg [dreg:$0x0];
	s2 =	stileid.u32  }
0x19a: {  	s1 =	rddreg [dreg:$0x1];
	p0 =	sne.s32 s2, $0x0  }
0x19b: {  	s3 =	rddreg [dreg:$0x2];
	[bflag:$0x3] =	sbarrier.arrive $0xFFFF;
	s2 =	simm.s32 @!p0 $0x1C02  }
0x19c: {  	[timem:s3], [sflag:s2] =	dma.local @!p0 [hbm:s0], s1  }
0x19d: {  	s0 =	simm.s32 @!p0 $0x2  }
0x19e: {  	_ =	swait.ge @!p0 [sflag:s0], s1  }
0x19f: {  	s1 =	ssub.s32 @!p0 $0x0, s1;
	[sflag:s0] =	ssyncset.done @!p0 $0x0  }
0x1a0: {  	[sflag:s0] =	ssyncadd.s32 @!p0 s1  }
0x1a1: {  	[bflag:$0x3] =	sbarrier.arrive $0xFFFF  }
0x1a2: {  	_ =	shalt  }

</sc_bundles>
